<compile_context>
chip_gen: v7x
topology: tpu7x:2x2x1
jax: 0.10.2.dev20260603
libtpu: 0.0.44.dev20260713+nightly
codegen_flags: <defaults>
</compile_context>

<pallas_src>
import functools

import jax
import jax.numpy as jnp
from jax import lax
from jax.experimental import pallas as pl
from jax.experimental.pallas import tpu as pltpu
from jax.experimental.pallas import tpu_sc as plsc

_EMB = 128
_IDX_CHUNK = 128
_REPL = 1


def _sc_gather_left(table, idx):
    B = idx.shape[0]
    V = table.shape[0]
    info = plsc.get_sparse_core_info()
    nw = info.num_cores * info.num_subcores
    bpw = B // nw
    nchunks = bpw // _IDX_CHUNK
    mesh = plsc.VectorSubcoreMesh(core_axis_name="c", subcore_axis_name="s")

    @functools.partial(
        pl.kernel,
        mesh=mesh,
        out_type=jax.ShapeDtypeStruct((B, 2 * _EMB), jnp.float32),
        scratch_types=[
            pltpu.VMEM((bpw,), jnp.int32),
            pltpu.VMEM((bpw, _EMB), jnp.float32),
            pltpu.VMEM_SHARED((_REPL, V, _EMB), jnp.float32),
            pltpu.SemaphoreType.DMA,
            pltpu.SemaphoreType.DMA,
        ],
    )
    def k(table_hbm, idx_hbm, out_hbm, idx_v, rows_v, table_sp, sem, wsem):
        sid = lax.axis_index("s")
        wid = sid * info.num_cores + lax.axis_index("c")
        base = wid * bpw

        ns = info.num_subcores
        per_copy = ns // _REPL
        stripe = (-(-V // per_copy) + 7) // 8 * 8
        nfull = V // stripe
        rem = V - nfull * stripe
        for r in range(_REPL):
            for t in range(per_copy):
                if t < nfull:

                    @pl.when(sid == r * per_copy + t)
                    def _(r=r, t=t):
                        pltpu.sync_copy(
                            table_hbm.at[pl.ds(t * stripe, stripe)],
                            table_sp.at[r, pl.ds(t * stripe, stripe)],
                        )

                elif t == nfull and rem:

                    @pl.when(sid == r * per_copy + t)
                    def _(r=r, t=t):
                        pltpu.sync_copy(
                            table_hbm.at[pl.ds(nfull * stripe, rem)],
                            table_sp.at[r, pl.ds(nfull * stripe, rem)],
                        )

        pltpu.sync_copy(idx_hbm.at[pl.ds(base, bpw)], idx_v)
        plsc.subcore_barrier()
        my_copy = lax.rem(sid, _REPL)
        gathers = [
            pltpu.async_copy(
                table_sp.at[my_copy].at[idx_v.at[pl.ds(j * _IDX_CHUNK, _IDX_CHUNK)]],
                rows_v.at[pl.ds(j * _IDX_CHUNK, _IDX_CHUNK)],
                sem,
            )
            for j in range(nchunks)
        ]
        writes = []
        for j, g in enumerate(gathers):
            g.wait()
            writes.append(
                pltpu.async_copy(
                    rows_v.at[pl.ds(j * _IDX_CHUNK, _IDX_CHUNK)],
                    out_hbm.at[
                        pl.ds(base + j * _IDX_CHUNK, _IDX_CHUNK), pl.ds(0, _EMB)
                    ],
                    wsem,
                )
            )
        for w in writes:
            w.wait()

    return k(table, idx)


def _tc_genre_right(x, wt_ext, sc_out, bm=8192):
    B, C = x.shape

    def body(x_ref, wt_ref, sc_ref, out_ref):
        del sc_ref
        xf = x_ref[...].astype(jnp.float32)
        res = jnp.dot(
            xf, wt_ref[...], preferred_element_type=jnp.float32
        )
        out_ref[...] = res[:, :_EMB] / res[:, _EMB : _EMB + 1]

    return pl.pallas_call(
        body,
        grid=(B // bm,),
        in_specs=[
            pl.BlockSpec((bm, C), lambda i: (i, 0)),
            pl.BlockSpec((C, _EMB + 1), lambda i: (0, 0)),
            pl.BlockSpec(memory_space=pl.ANY),
        ],
        out_specs=pl.BlockSpec((bm, _EMB), lambda i: (i, 1)),
        out_shape=jax.ShapeDtypeStruct((B, 2 * _EMB), jnp.float32),
        input_output_aliases={2: 0},
    )(x, wt_ext, sc_out)


def kernel(x, embedding_rate, genre_weight):
    wt_pad = jnp.concatenate(
        [jnp.zeros((1, _EMB), jnp.float32), genre_weight.T], axis=0
    )
    mask_col = jnp.concatenate(
        [jnp.zeros((1, 1), jnp.float32), jnp.ones((x.shape[1] - 1, 1), jnp.float32)],
        axis=0,
    )
    wt_ext = jnp.concatenate([wt_pad, mask_col], axis=1)
    sc_out = _sc_gather_left(embedding_rate, x[:, 0])
    return _tc_genre_right(x, wt_ext, sc_out)

# --- scband reference (transcript-rebuilt; emitter-appended) ---
"""Pipeline reference for scband-item-ml-16071767622200 (READ-ONLY COPY).

The authoritative reference and input builder live on the scoring server;
editing this copy changes nothing except your own understanding.
"""

import jax, jax.numpy as jnp
import numpy as np

NUM_RATE = 1000
NUM_GENRE = 100
EMB = 128
B = 16384


def setup_inputs(seed: int = 0) -> dict:
    key = jax.random.key(seed)
    k1, k2, k3 = jax.random.split(key, 3)
    # x: column 0 = rate index, columns 1: = multi-hot genre indicators (0/1)
    x = jax.random.randint(k1, (B, 1 + NUM_GENRE), 0, 2).astype(jnp.int32)
    # learned params
    embedding_rate = jax.random.normal(k2, (NUM_RATE, EMB), dtype=jnp.float32)
    # torch nn.Linear(in=NUM_GENRE, out=EMB, bias=False) weight has shape [EMB, NUM_GENRE]
    genre_weight = jax.random.normal(k3, (EMB, NUM_GENRE), dtype=jnp.float32) * 0.05
    return {"x": x, "embedding_rate": embedding_rate, "genre_weight": genre_weight}


def reference(x, embedding_rate, genre_weight):
    rate_idx = x[:, 0]
    genre_idx = x[:, 1:].astype(jnp.float32)
    # embedding lookup -> gather
    rate_emb = jnp.take(embedding_rate, rate_idx, axis=0)
    # linear (no bias): y = genre @ W^T, then normalize by multi-hot count
    genre_emb = genre_idx @ genre_weight.T
    genre_emb = genre_emb / jnp.sum(genre_idx, axis=1).reshape(-1, 1)
    temp_item_emb = jnp.concatenate((rate_emb, genre_emb), axis=1)
    return temp_item_emb

if __name__ == "__main__":
    import jax
    _d = setup_inputs()
    print(jax.jit(kernel)(*tuple(_d.values())))

</pallas_src>

<mosaic_0001>
#map = affine_map<(d0, d1) -> (0, 0)>
#map1 = affine_map<(d0, d1) -> (0)>
module attributes {stable_mosaic.version = 14 : i64} {
  func.func @k(%arg0: i32, %arg1: i32, %arg2: memref<1000x128xf32, #tpu.memory_space<hbm>>, %arg3: memref<16384xi32, #tpu.memory_space<hbm>>, %arg4: memref<16384x256xf32, #tpu.memory_space<hbm>>, %arg5: memref<512xi32, #tpu.memory_space<vmem>>, %arg6: memref<512x128xf32, #tpu.memory_space<vmem>>, %arg7: memref<1x1000x128xf32, #tpu.memory_space<vmem_shared>>, %arg8: memref<!tpu.dma_semaphore, #tpu.memory_space<semaphore_mem>>, %arg9: memref<!tpu.dma_semaphore, #tpu.memory_space<semaphore_mem>>) attributes {dimension_semantics = [#tpu.dimension_semantics<core_parallel>, #tpu.dimension_semantics<subcore_parallel>], iteration_bounds = array<i64: 2, 16>, scalar_prefetch = 0 : i64, scratch_operands = 5 : i64, tpu.core_type = #tpu.core_type<sc_vector_subcore>, window_params = [{transform_indices = #map}, {transform_indices = #map1}, {transform_indices = #map}]} {
    %mul3A = arith.constant 2 : i32
    %mul3A_0 = arith.muli %arg1, %mul3A : i32
    %add3A = arith.addi %mul3A_0, %arg0 : i32
    %mul3A_1 = arith.constant 512 : i32
    %mul3A_2 = arith.muli %add3A, %mul3A_1 : i32
    %eq3A = arith.constant 0 : i32
    %eq3A_3 = arith.cmpi eq, %arg1, %eq3A : i32
    %convert_element_type3A = arith.extui %eq3A_3 : i1 to i32
    %cond3A = arith.constant 0 : i32
    %cond3A_4 = arith.cmpi ne, %convert_element_type3A, %cond3A : i32
    scf.if %cond3A_4 {
      %run_scoped3A = arith.constant 0 : i32
      "tpu.region"() ({
        %run_scoped3A_263 = tpu.sem_alloc : memref<!tpu.dma_semaphore, #tpu.memory_space<semaphore_mem>>
        %dma_start3A_264 = arith.constant 0 : i32
        %dma_start3A_265 = arith.constant 0 : i32
        %dma_start3A_266 = tpu.memref_slice %arg7[%run_scoped3A, %dma_start3A_264, %dma_start3A_265] : memref<1x1000x128xf32, #tpu.memory_space<vmem_shared>> -> memref<1x64x128xf32, #tpu.memory_space<vmem_shared>>
        %dma_start3A_267 = tpu.memref_squeeze %dma_start3A_266 : memref<1x64x128xf32, #tpu.memory_space<vmem_shared>> -> memref<64x128xf32, #tpu.memory_space<vmem_shared>>
        %dma_start3A_268 = arith.constant 0 : i32
        %dma_start3A_269 = arith.constant 0 : i32
        %dma_start3A_270 = tpu.memref_slice %arg2[%dma_start3A_268, %dma_start3A_269] : memref<1000x128xf32, #tpu.memory_space<hbm>> -> memref<64x128xf32, #tpu.memory_space<hbm>>
        tpu.enqueue_dma source(%dma_start3A_270 : memref<64x128xf32, #tpu.memory_space<hbm>>) target(%dma_start3A_267 : memref<64x128xf32, #tpu.memory_space<vmem_shared>>) target_semaphore(%run_scoped3A_263 : memref<!tpu.dma_semaphore, #tpu.memory_space<semaphore_mem>>)
        %dma_wait3A_271 = arith.constant 0 : i32
        %dma_wait3A_272 = arith.constant 0 : i32
        %dma_wait3A_273 = tpu.memref_slice %arg7[%run_scoped3A, %dma_wait3A_271, %dma_wait3A_272] : memref<1x1000x128xf32, #tpu.memory_space<vmem_shared>> -> memref<1x64x128xf32, #tpu.memory_space<vmem_shared>>
        %dma_wait3A_274 = tpu.memref_squeeze %dma_wait3A_273 : memref<1x64x128xf32, #tpu.memory_space<vmem_shared>> -> memref<64x128xf32, #tpu.memory_space<vmem_shared>>
        %dma_wait3A_275 = arith.constant 0 : i32
        %dma_wait3A_276 = arith.constant 0 : i32
        %dma_wait3A_277 = tpu.memref_slice %arg2[%dma_wait3A_275, %dma_wait3A_276] : memref<1000x128xf32, #tpu.memory_space<hbm>> -> memref<64x128xf32, #tpu.memory_space<hbm>>
        tpu.wait_dma2 semaphore(%run_scoped3A_263 : memref<!tpu.dma_semaphore, #tpu.memory_space<semaphore_mem>>) src(%dma_wait3A_277 : memref<64x128xf32, #tpu.memory_space<hbm>>) dst(%dma_wait3A_274 : memref<64x128xf32, #tpu.memory_space<vmem_shared>>)
        tpu.yield
      }) : () -> ()
    } else {
    }
    %eq3A_5 = arith.constant 1 : i32
    %eq3A_6 = arith.cmpi eq, %arg1, %eq3A_5 : i32
    %convert_element_type3A_7 = arith.extui %eq3A_6 : i1 to i32
    %cond3A_8 = arith.constant 0 : i32
    %cond3A_9 = arith.cmpi ne, %convert_element_type3A_7, %cond3A_8 : i32
    scf.if %cond3A_9 {
      %run_scoped3A = arith.constant 0 : i32
      "tpu.region"() ({
        %run_scoped3A_263 = tpu.sem_alloc : memref<!tpu.dma_semaphore, #tpu.memory_space<semaphore_mem>>
        %dma_start3A_264 = arith.constant 64 : i32
        %dma_start3A_265 = arith.constant 0 : i32
        %dma_start3A_266 = tpu.memref_slice %arg7[%run_scoped3A, %dma_start3A_264, %dma_start3A_265] : memref<1x1000x128xf32, #tpu.memory_space<vmem_shared>> -> memref<1x64x128xf32, #tpu.memory_space<vmem_shared>>
        %dma_start3A_267 = tpu.memref_squeeze %dma_start3A_266 : memref<1x64x128xf32, #tpu.memory_space<vmem_shared>> -> memref<64x128xf32, #tpu.memory_space<vmem_shared>>
        %dma_start3A_268 = arith.constant 64 : i32
        %dma_start3A_269 = arith.constant 0 : i32
        %dma_start3A_270 = tpu.memref_slice %arg2[%dma_start3A_268, %dma_start3A_269] : memref<1000x128xf32, #tpu.memory_space<hbm>> -> memref<64x128xf32, #tpu.memory_space<hbm>>
        tpu.enqueue_dma source(%dma_start3A_270 : memref<64x128xf32, #tpu.memory_space<hbm>>) target(%dma_start3A_267 : memref<64x128xf32, #tpu.memory_space<vmem_shared>>) target_semaphore(%run_scoped3A_263 : memref<!tpu.dma_semaphore, #tpu.memory_space<semaphore_mem>>)
        %dma_wait3A_271 = arith.constant 64 : i32
        %dma_wait3A_272 = arith.constant 0 : i32
        %dma_wait3A_273 = tpu.memref_slice %arg7[%run_scoped3A, %dma_wait3A_271, %dma_wait3A_272] : memref<1x1000x128xf32, #tpu.memory_space<vmem_shared>> -> memref<1x64x128xf32, #tpu.memory_space<vmem_shared>>
        %dma_wait3A_274 = tpu.memref_squeeze %dma_wait3A_273 : memref<1x64x128xf32, #tpu.memory_space<vmem_shared>> -> memref<64x128xf32, #tpu.memory_space<vmem_shared>>
        %dma_wait3A_275 = arith.constant 64 : i32
        %dma_wait3A_276 = arith.constant 0 : i32
        %dma_wait3A_277 = tpu.memref_slice %arg2[%dma_wait3A_275, %dma_wait3A_276] : memref<1000x128xf32, #tpu.memory_space<hbm>> -> memref<64x128xf32, #tpu.memory_space<hbm>>
        tpu.wait_dma2 semaphore(%run_scoped3A_263 : memref<!tpu.dma_semaphore, #tpu.memory_space<semaphore_mem>>) src(%dma_wait3A_277 : memref<64x128xf32, #tpu.memory_space<hbm>>) dst(%dma_wait3A_274 : memref<64x128xf32, #tpu.memory_space<vmem_shared>>)
        tpu.yield
      }) : () -> ()
    } else {
    }
    %eq3A_10 = arith.constant 2 : i32
    %eq3A_11 = arith.cmpi eq, %arg1, %eq3A_10 : i32
    %convert_element_type3A_12 = arith.extui %eq3A_11 : i1 to i32
    %cond3A_13 = arith.constant 0 : i32
    %cond3A_14 = arith.cmpi ne, %convert_element_type3A_12, %cond3A_13 : i32
    scf.if %cond3A_14 {
      %run_scoped3A = arith.constant 0 : i32
      "tpu.region"() ({
        %run_scoped3A_263 = tpu.sem_alloc : memref<!tpu.dma_semaphore, #tpu.memory_space<semaphore_mem>>
        %dma_start3A_264 = arith.constant 128 : i32
        %dma_start3A_265 = arith.constant 0 : i32
        %dma_start3A_266 = tpu.memref_slice %arg7[%run_scoped3A, %dma_start3A_264, %dma_start3A_265] : memref<1x1000x128xf32, #tpu.memory_space<vmem_shared>> -> memref<1x64x128xf32, #tpu.memory_space<vmem_shared>>
        %dma_start3A_267 = tpu.memref_squeeze %dma_start3A_266 : memref<1x64x128xf32, #tpu.memory_space<vmem_shared>> -> memref<64x128xf32, #tpu.memory_space<vmem_shared>>
        %dma_start3A_268 = arith.constant 128 : i32
        %dma_start3A_269 = arith.constant 0 : i32
        %dma_start3A_270 = tpu.memref_slice %arg2[%dma_start3A_268, %dma_start3A_269] : memref<1000x128xf32, #tpu.memory_space<hbm>> -> memref<64x128xf32, #tpu.memory_space<hbm>>
        tpu.enqueue_dma source(%dma_start3A_270 : memref<64x128xf32, #tpu.memory_space<hbm>>) target(%dma_start3A_267 : memref<64x128xf32, #tpu.memory_space<vmem_shared>>) target_semaphore(%run_scoped3A_263 : memref<!tpu.dma_semaphore, #tpu.memory_space<semaphore_mem>>)
        %dma_wait3A_271 = arith.constant 128 : i32
        %dma_wait3A_272 = arith.constant 0 : i32
        %dma_wait3A_273 = tpu.memref_slice %arg7[%run_scoped3A, %dma_wait3A_271, %dma_wait3A_272] : memref<1x1000x128xf32, #tpu.memory_space<vmem_shared>> -> memref<1x64x128xf32, #tpu.memory_space<vmem_shared>>
        %dma_wait3A_274 = tpu.memref_squeeze %dma_wait3A_273 : memref<1x64x128xf32, #tpu.memory_space<vmem_shared>> -> memref<64x128xf32, #tpu.memory_space<vmem_shared>>
        %dma_wait3A_275 = arith.constant 128 : i32
        %dma_wait3A_276 = arith.constant 0 : i32
        %dma_wait3A_277 = tpu.memref_slice %arg2[%dma_wait3A_275, %dma_wait3A_276] : memref<1000x128xf32, #tpu.memory_space<hbm>> -> memref<64x128xf32, #tpu.memory_space<hbm>>
        tpu.wait_dma2 semaphore(%run_scoped3A_263 : memref<!tpu.dma_semaphore, #tpu.memory_space<semaphore_mem>>) src(%dma_wait3A_277 : memref<64x128xf32, #tpu.memory_space<hbm>>) dst(%dma_wait3A_274 : memref<64x128xf32, #tpu.memory_space<vmem_shared>>)
        tpu.yield
      }) : () -> ()
    } else {
    }
    %eq3A_15 = arith.constant 3 : i32
    %eq3A_16 = arith.cmpi eq, %arg1, %eq3A_15 : i32
    %convert_element_type3A_17 = arith.extui %eq3A_16 : i1 to i32
    %cond3A_18 = arith.constant 0 : i32
    %cond3A_19 = arith.cmpi ne, %convert_element_type3A_17, %cond3A_18 : i32
    scf.if %cond3A_19 {
      %run_scoped3A = arith.constant 0 : i32
      "tpu.region"() ({
        %run_scoped3A_263 = tpu.sem_alloc : memref<!tpu.dma_semaphore, #tpu.memory_space<semaphore_mem>>
        %dma_start3A_264 = arith.constant 192 : i32
        %dma_start3A_265 = arith.constant 0 : i32
        %dma_start3A_266 = tpu.memref_slice %arg7[%run_scoped3A, %dma_start3A_264, %dma_start3A_265] : memref<1x1000x128xf32, #tpu.memory_space<vmem_shared>> -> memref<1x64x128xf32, #tpu.memory_space<vmem_shared>>
        %dma_start3A_267 = tpu.memref_squeeze %dma_start3A_266 : memref<1x64x128xf32, #tpu.memory_space<vmem_shared>> -> memref<64x128xf32, #tpu.memory_space<vmem_shared>>
        %dma_start3A_268 = arith.constant 192 : i32
        %dma_start3A_269 = arith.constant 0 : i32
        %dma_start3A_270 = tpu.memref_slice %arg2[%dma_start3A_268, %dma_start3A_269] : memref<1000x128xf32, #tpu.memory_space<hbm>> -> memref<64x128xf32, #tpu.memory_space<hbm>>
        tpu.enqueue_dma source(%dma_start3A_270 : memref<64x128xf32, #tpu.memory_space<hbm>>) target(%dma_start3A_267 : memref<64x128xf32, #tpu.memory_space<vmem_shared>>) target_semaphore(%run_scoped3A_263 : memref<!tpu.dma_semaphore, #tpu.memory_space<semaphore_mem>>)
        %dma_wait3A_271 = arith.constant 192 : i32
        %dma_wait3A_272 = arith.constant 0 : i32
        %dma_wait3A_273 = tpu.memref_slice %arg7[%run_scoped3A, %dma_wait3A_271, %dma_wait3A_272] : memref<1x1000x128xf32, #tpu.memory_space<vmem_shared>> -> memref<1x64x128xf32, #tpu.memory_space<vmem_shared>>
        %dma_wait3A_274 = tpu.memref_squeeze %dma_wait3A_273 : memref<1x64x128xf32, #tpu.memory_space<vmem_shared>> -> memref<64x128xf32, #tpu.memory_space<vmem_shared>>
        %dma_wait3A_275 = arith.constant 192 : i32
        %dma_wait3A_276 = arith.constant 0 : i32
        %dma_wait3A_277 = tpu.memref_slice %arg2[%dma_wait3A_275, %dma_wait3A_276] : memref<1000x128xf32, #tpu.memory_space<hbm>> -> memref<64x128xf32, #tpu.memory_space<hbm>>
        tpu.wait_dma2 semaphore(%run_scoped3A_263 : memref<!tpu.dma_semaphore, #tpu.memory_space<semaphore_mem>>) src(%dma_wait3A_277 : memref<64x128xf32, #tpu.memory_space<hbm>>) dst(%dma_wait3A_274 : memref<64x128xf32, #tpu.memory_space<vmem_shared>>)
        tpu.yield
      }) : () -> ()
    } else {
    }
    %eq3A_20 = arith.constant 4 : i32
    %eq3A_21 = arith.cmpi eq, %arg1, %eq3A_20 : i32
    %convert_element_type3A_22 = arith.extui %eq3A_21 : i1 to i32
    %cond3A_23 = arith.constant 0 : i32
    %cond3A_24 = arith.cmpi ne, %convert_element_type3A_22, %cond3A_23 : i32
    scf.if %cond3A_24 {
      %run_scoped3A = arith.constant 0 : i32
      "tpu.region"() ({
        %run_scoped3A_263 = tpu.sem_alloc : memref<!tpu.dma_semaphore, #tpu.memory_space<semaphore_mem>>
        %dma_start3A_264 = arith.constant 256 : i32
        %dma_start3A_265 = arith.constant 0 : i32
        %dma_start3A_266 = tpu.memref_slice %arg7[%run_scoped3A, %dma_start3A_264, %dma_start3A_265] : memref<1x1000x128xf32, #tpu.memory_space<vmem_shared>> -> memref<1x64x128xf32, #tpu.memory_space<vmem_shared>>
        %dma_start3A_267 = tpu.memref_squeeze %dma_start3A_266 : memref<1x64x128xf32, #tpu.memory_space<vmem_shared>> -> memref<64x128xf32, #tpu.memory_space<vmem_shared>>
        %dma_start3A_268 = arith.constant 256 : i32
        %dma_start3A_269 = arith.constant 0 : i32
        %dma_start3A_270 = tpu.memref_slice %arg2[%dma_start3A_268, %dma_start3A_269] : memref<1000x128xf32, #tpu.memory_space<hbm>> -> memref<64x128xf32, #tpu.memory_space<hbm>>
        tpu.enqueue_dma source(%dma_start3A_270 : memref<64x128xf32, #tpu.memory_space<hbm>>) target(%dma_start3A_267 : memref<64x128xf32, #tpu.memory_space<vmem_shared>>) target_semaphore(%run_scoped3A_263 : memref<!tpu.dma_semaphore, #tpu.memory_space<semaphore_mem>>)
        %dma_wait3A_271 = arith.constant 256 : i32
        %dma_wait3A_272 = arith.constant 0 : i32
        %dma_wait3A_273 = tpu.memref_slice %arg7[%run_scoped3A, %dma_wait3A_271, %dma_wait3A_272] : memref<1x1000x128xf32, #tpu.memory_space<vmem_shared>> -> memref<1x64x128xf32, #tpu.memory_space<vmem_shared>>
        %dma_wait3A_274 = tpu.memref_squeeze %dma_wait3A_273 : memref<1x64x128xf32, #tpu.memory_space<vmem_shared>> -> memref<64x128xf32, #tpu.memory_space<vmem_shared>>
        %dma_wait3A_275 = arith.constant 256 : i32
        %dma_wait3A_276 = arith.constant 0 : i32
        %dma_wait3A_277 = tpu.memref_slice %arg2[%dma_wait3A_275, %dma_wait3A_276] : memref<1000x128xf32, #tpu.memory_space<hbm>> -> memref<64x128xf32, #tpu.memory_space<hbm>>
        tpu.wait_dma2 semaphore(%run_scoped3A_263 : memref<!tpu.dma_semaphore, #tpu.memory_space<semaphore_mem>>) src(%dma_wait3A_277 : memref<64x128xf32, #tpu.memory_space<hbm>>) dst(%dma_wait3A_274 : memref<64x128xf32, #tpu.memory_space<vmem_shared>>)
        tpu.yield
      }) : () -> ()
    } else {
    }
    %eq3A_25 = arith.constant 5 : i32
    %eq3A_26 = arith.cmpi eq, %arg1, %eq3A_25 : i32
    %convert_element_type3A_27 = arith.extui %eq3A_26 : i1 to i32
    %cond3A_28 = arith.constant 0 : i32
    %cond3A_29 = arith.cmpi ne, %convert_element_type3A_27, %cond3A_28 : i32
    scf.if %cond3A_29 {
      %run_scoped3A = arith.constant 0 : i32
      "tpu.region"() ({
        %run_scoped3A_263 = tpu.sem_alloc : memref<!tpu.dma_semaphore, #tpu.memory_space<semaphore_mem>>
        %dma_start3A_264 = arith.constant 320 : i32
        %dma_start3A_265 = arith.constant 0 : i32
        %dma_start3A_266 = tpu.memref_slice %arg7[%run_scoped3A, %dma_start3A_264, %dma_start3A_265] : memref<1x1000x128xf32, #tpu.memory_space<vmem_shared>> -> memref<1x64x128xf32, #tpu.memory_space<vmem_shared>>
        %dma_start3A_267 = tpu.memref_squeeze %dma_start3A_266 : memref<1x64x128xf32, #tpu.memory_space<vmem_shared>> -> memref<64x128xf32, #tpu.memory_space<vmem_shared>>
        %dma_start3A_268 = arith.constant 320 : i32
        %dma_start3A_269 = arith.constant 0 : i32
        %dma_start3A_270 = tpu.memref_slice %arg2[%dma_start3A_268, %dma_start3A_269] : memref<1000x128xf32, #tpu.memory_space<hbm>> -> memref<64x128xf32, #tpu.memory_space<hbm>>
        tpu.enqueue_dma source(%dma_start3A_270 : memref<64x128xf32, #tpu.memory_space<hbm>>) target(%dma_start3A_267 : memref<64x128xf32, #tpu.memory_space<vmem_shared>>) target_semaphore(%run_scoped3A_263 : memref<!tpu.dma_semaphore, #tpu.memory_space<semaphore_mem>>)
        %dma_wait3A_271 = arith.constant 320 : i32
        %dma_wait3A_272 = arith.constant 0 : i32
        %dma_wait3A_273 = tpu.memref_slice %arg7[%run_scoped3A, %dma_wait3A_271, %dma_wait3A_272] : memref<1x1000x128xf32, #tpu.memory_space<vmem_shared>> -> memref<1x64x128xf32, #tpu.memory_space<vmem_shared>>
        %dma_wait3A_274 = tpu.memref_squeeze %dma_wait3A_273 : memref<1x64x128xf32, #tpu.memory_space<vmem_shared>> -> memref<64x128xf32, #tpu.memory_space<vmem_shared>>
        %dma_wait3A_275 = arith.constant 320 : i32
        %dma_wait3A_276 = arith.constant 0 : i32
        %dma_wait3A_277 = tpu.memref_slice %arg2[%dma_wait3A_275, %dma_wait3A_276] : memref<1000x128xf32, #tpu.memory_space<hbm>> -> memref<64x128xf32, #tpu.memory_space<hbm>>
        tpu.wait_dma2 semaphore(%run_scoped3A_263 : memref<!tpu.dma_semaphore, #tpu.memory_space<semaphore_mem>>) src(%dma_wait3A_277 : memref<64x128xf32, #tpu.memory_space<hbm>>) dst(%dma_wait3A_274 : memref<64x128xf32, #tpu.memory_space<vmem_shared>>)
        tpu.yield
      }) : () -> ()
    } else {
    }
    %eq3A_30 = arith.constant 6 : i32
    %eq3A_31 = arith.cmpi eq, %arg1, %eq3A_30 : i32
    %convert_element_type3A_32 = arith.extui %eq3A_31 : i1 to i32
    %cond3A_33 = arith.constant 0 : i32
    %cond3A_34 = arith.cmpi ne, %convert_element_type3A_32, %cond3A_33 : i32
    scf.if %cond3A_34 {
      %run_scoped3A = arith.constant 0 : i32
      "tpu.region"() ({
        %run_scoped3A_263 = tpu.sem_alloc : memref<!tpu.dma_semaphore, #tpu.memory_space<semaphore_mem>>
        %dma_start3A_264 = arith.constant 384 : i32
        %dma_start3A_265 = arith.constant 0 : i32
        %dma_start3A_266 = tpu.memref_slice %arg7[%run_scoped3A, %dma_start3A_264, %dma_start3A_265] : memref<1x1000x128xf32, #tpu.memory_space<vmem_shared>> -> memref<1x64x128xf32, #tpu.memory_space<vmem_shared>>
        %dma_start3A_267 = tpu.memref_squeeze %dma_start3A_266 : memref<1x64x128xf32, #tpu.memory_space<vmem_shared>> -> memref<64x128xf32, #tpu.memory_space<vmem_shared>>
        %dma_start3A_268 = arith.constant 384 : i32
        %dma_start3A_269 = arith.constant 0 : i32
        %dma_start3A_270 = tpu.memref_slice %arg2[%dma_start3A_268, %dma_start3A_269] : memref<1000x128xf32, #tpu.memory_space<hbm>> -> memref<64x128xf32, #tpu.memory_space<hbm>>
        tpu.enqueue_dma source(%dma_start3A_270 : memref<64x128xf32, #tpu.memory_space<hbm>>) target(%dma_start3A_267 : memref<64x128xf32, #tpu.memory_space<vmem_shared>>) target_semaphore(%run_scoped3A_263 : memref<!tpu.dma_semaphore, #tpu.memory_space<semaphore_mem>>)
        %dma_wait3A_271 = arith.constant 384 : i32
        %dma_wait3A_272 = arith.constant 0 : i32
        %dma_wait3A_273 = tpu.memref_slice %arg7[%run_scoped3A, %dma_wait3A_271, %dma_wait3A_272] : memref<1x1000x128xf32, #tpu.memory_space<vmem_shared>> -> memref<1x64x128xf32, #tpu.memory_space<vmem_shared>>
        %dma_wait3A_274 = tpu.memref_squeeze %dma_wait3A_273 : memref<1x64x128xf32, #tpu.memory_space<vmem_shared>> -> memref<64x128xf32, #tpu.memory_space<vmem_shared>>
        %dma_wait3A_275 = arith.constant 384 : i32
        %dma_wait3A_276 = arith.constant 0 : i32
        %dma_wait3A_277 = tpu.memref_slice %arg2[%dma_wait3A_275, %dma_wait3A_276] : memref<1000x128xf32, #tpu.memory_space<hbm>> -> memref<64x128xf32, #tpu.memory_space<hbm>>
        tpu.wait_dma2 semaphore(%run_scoped3A_263 : memref<!tpu.dma_semaphore, #tpu.memory_space<semaphore_mem>>) src(%dma_wait3A_277 : memref<64x128xf32, #tpu.memory_space<hbm>>) dst(%dma_wait3A_274 : memref<64x128xf32, #tpu.memory_space<vmem_shared>>)
        tpu.yield
      }) : () -> ()
    } else {
    }
    %eq3A_35 = arith.constant 7 : i32
    %eq3A_36 = arith.cmpi eq, %arg1, %eq3A_35 : i32
    %convert_element_type3A_37 = arith.extui %eq3A_36 : i1 to i32
    %cond3A_38 = arith.constant 0 : i32
    %cond3A_39 = arith.cmpi ne, %convert_element_type3A_37, %cond3A_38 : i32
    scf.if %cond3A_39 {
      %run_scoped3A = arith.constant 0 : i32
      "tpu.region"() ({
        %run_scoped3A_263 = tpu.sem_alloc : memref<!tpu.dma_semaphore, #tpu.memory_space<semaphore_mem>>
        %dma_start3A_264 = arith.constant 448 : i32
        %dma_start3A_265 = arith.constant 0 : i32
        %dma_start3A_266 = tpu.memref_slice %arg7[%run_scoped3A, %dma_start3A_264, %dma_start3A_265] : memref<1x1000x128xf32, #tpu.memory_space<vmem_shared>> -> memref<1x64x128xf32, #tpu.memory_space<vmem_shared>>
        %dma_start3A_267 = tpu.memref_squeeze %dma_start3A_266 : memref<1x64x128xf32, #tpu.memory_space<vmem_shared>> -> memref<64x128xf32, #tpu.memory_space<vmem_shared>>
        %dma_start3A_268 = arith.constant 448 : i32
        %dma_start3A_269 = arith.constant 0 : i32
        %dma_start3A_270 = tpu.memref_slice %arg2[%dma_start3A_268, %dma_start3A_269] : memref<1000x128xf32, #tpu.memory_space<hbm>> -> memref<64x128xf32, #tpu.memory_space<hbm>>
        tpu.enqueue_dma source(%dma_start3A_270 : memref<64x128xf32, #tpu.memory_space<hbm>>) target(%dma_start3A_267 : memref<64x128xf32, #tpu.memory_space<vmem_shared>>) target_semaphore(%run_scoped3A_263 : memref<!tpu.dma_semaphore, #tpu.memory_space<semaphore_mem>>)
        %dma_wait3A_271 = arith.constant 448 : i32
        %dma_wait3A_272 = arith.constant 0 : i32
        %dma_wait3A_273 = tpu.memref_slice %arg7[%run_scoped3A, %dma_wait3A_271, %dma_wait3A_272] : memref<1x1000x128xf32, #tpu.memory_space<vmem_shared>> -> memref<1x64x128xf32, #tpu.memory_space<vmem_shared>>
        %dma_wait3A_274 = tpu.memref_squeeze %dma_wait3A_273 : memref<1x64x128xf32, #tpu.memory_space<vmem_shared>> -> memref<64x128xf32, #tpu.memory_space<vmem_shared>>
        %dma_wait3A_275 = arith.constant 448 : i32
        %dma_wait3A_276 = arith.constant 0 : i32
        %dma_wait3A_277 = tpu.memref_slice %arg2[%dma_wait3A_275, %dma_wait3A_276] : memref<1000x128xf32, #tpu.memory_space<hbm>> -> memref<64x128xf32, #tpu.memory_space<hbm>>
        tpu.wait_dma2 semaphore(%run_scoped3A_263 : memref<!tpu.dma_semaphore, #tpu.memory_space<semaphore_mem>>) src(%dma_wait3A_277 : memref<64x128xf32, #tpu.memory_space<hbm>>) dst(%dma_wait3A_274 : memref<64x128xf32, #tpu.memory_space<vmem_shared>>)
        tpu.yield
      }) : () -> ()
    } else {
    }
    %eq3A_40 = arith.constant 8 : i32
    %eq3A_41 = arith.cmpi eq, %arg1, %eq3A_40 : i32
    %convert_element_type3A_42 = arith.extui %eq3A_41 : i1 to i32
    %cond3A_43 = arith.constant 0 : i32
    %cond3A_44 = arith.cmpi ne, %convert_element_type3A_42, %cond3A_43 : i32
    scf.if %cond3A_44 {
      %run_scoped3A = arith.constant 0 : i32
      "tpu.region"() ({
        %run_scoped3A_263 = tpu.sem_alloc : memref<!tpu.dma_semaphore, #tpu.memory_space<semaphore_mem>>
        %dma_start3A_264 = arith.constant 512 : i32
        %dma_start3A_265 = arith.constant 0 : i32
        %dma_start3A_266 = tpu.memref_slice %arg7[%run_scoped3A, %dma_start3A_264, %dma_start3A_265] : memref<1x1000x128xf32, #tpu.memory_space<vmem_shared>> -> memref<1x64x128xf32, #tpu.memory_space<vmem_shared>>
        %dma_start3A_267 = tpu.memref_squeeze %dma_start3A_266 : memref<1x64x128xf32, #tpu.memory_space<vmem_shared>> -> memref<64x128xf32, #tpu.memory_space<vmem_shared>>
        %dma_start3A_268 = arith.constant 512 : i32
        %dma_start3A_269 = arith.constant 0 : i32
        %dma_start3A_270 = tpu.memref_slice %arg2[%dma_start3A_268, %dma_start3A_269] : memref<1000x128xf32, #tpu.memory_space<hbm>> -> memref<64x128xf32, #tpu.memory_space<hbm>>
        tpu.enqueue_dma source(%dma_start3A_270 : memref<64x128xf32, #tpu.memory_space<hbm>>) target(%dma_start3A_267 : memref<64x128xf32, #tpu.memory_space<vmem_shared>>) target_semaphore(%run_scoped3A_263 : memref<!tpu.dma_semaphore, #tpu.memory_space<semaphore_mem>>)
        %dma_wait3A_271 = arith.constant 512 : i32
        %dma_wait3A_272 = arith.constant 0 : i32
        %dma_wait3A_273 = tpu.memref_slice %arg7[%run_scoped3A, %dma_wait3A_271, %dma_wait3A_272] : memref<1x1000x128xf32, #tpu.memory_space<vmem_shared>> -> memref<1x64x128xf32, #tpu.memory_space<vmem_shared>>
        %dma_wait3A_274 = tpu.memref_squeeze %dma_wait3A_273 : memref<1x64x128xf32, #tpu.memory_space<vmem_shared>> -> memref<64x128xf32, #tpu.memory_space<vmem_shared>>
        %dma_wait3A_275 = arith.constant 512 : i32
        %dma_wait3A_276 = arith.constant 0 : i32
        %dma_wait3A_277 = tpu.memref_slice %arg2[%dma_wait3A_275, %dma_wait3A_276] : memref<1000x128xf32, #tpu.memory_space<hbm>> -> memref<64x128xf32, #tpu.memory_space<hbm>>
        tpu.wait_dma2 semaphore(%run_scoped3A_263 : memref<!tpu.dma_semaphore, #tpu.memory_space<semaphore_mem>>) src(%dma_wait3A_277 : memref<64x128xf32, #tpu.memory_space<hbm>>) dst(%dma_wait3A_274 : memref<64x128xf32, #tpu.memory_space<vmem_shared>>)
        tpu.yield
      }) : () -> ()
    } else {
    }
    %eq3A_45 = arith.constant 9 : i32
    %eq3A_46 = arith.cmpi eq, %arg1, %eq3A_45 : i32
    %convert_element_type3A_47 = arith.extui %eq3A_46 : i1 to i32
    %cond3A_48 = arith.constant 0 : i32
    %cond3A_49 = arith.cmpi ne, %convert_element_type3A_47, %cond3A_48 : i32
    scf.if %cond3A_49 {
      %run_scoped3A = arith.constant 0 : i32
      "tpu.region"() ({
        %run_scoped3A_263 = tpu.sem_alloc : memref<!tpu.dma_semaphore, #tpu.memory_space<semaphore_mem>>
        %dma_start3A_264 = arith.constant 576 : i32
        %dma_start3A_265 = arith.constant 0 : i32
        %dma_start3A_266 = tpu.memref_slice %arg7[%run_scoped3A, %dma_start3A_264, %dma_start3A_265] : memref<1x1000x128xf32, #tpu.memory_space<vmem_shared>> -> memref<1x64x128xf32, #tpu.memory_space<vmem_shared>>
        %dma_start3A_267 = tpu.memref_squeeze %dma_start3A_266 : memref<1x64x128xf32, #tpu.memory_space<vmem_shared>> -> memref<64x128xf32, #tpu.memory_space<vmem_shared>>
        %dma_start3A_268 = arith.constant 576 : i32
        %dma_start3A_269 = arith.constant 0 : i32
        %dma_start3A_270 = tpu.memref_slice %arg2[%dma_start3A_268, %dma_start3A_269] : memref<1000x128xf32, #tpu.memory_space<hbm>> -> memref<64x128xf32, #tpu.memory_space<hbm>>
        tpu.enqueue_dma source(%dma_start3A_270 : memref<64x128xf32, #tpu.memory_space<hbm>>) target(%dma_start3A_267 : memref<64x128xf32, #tpu.memory_space<vmem_shared>>) target_semaphore(%run_scoped3A_263 : memref<!tpu.dma_semaphore, #tpu.memory_space<semaphore_mem>>)
        %dma_wait3A_271 = arith.constant 576 : i32
        %dma_wait3A_272 = arith.constant 0 : i32
        %dma_wait3A_273 = tpu.memref_slice %arg7[%run_scoped3A, %dma_wait3A_271, %dma_wait3A_272] : memref<1x1000x128xf32, #tpu.memory_space<vmem_shared>> -> memref<1x64x128xf32, #tpu.memory_space<vmem_shared>>
        %dma_wait3A_274 = tpu.memref_squeeze %dma_wait3A_273 : memref<1x64x128xf32, #tpu.memory_space<vmem_shared>> -> memref<64x128xf32, #tpu.memory_space<vmem_shared>>
        %dma_wait3A_275 = arith.constant 576 : i32
        %dma_wait3A_276 = arith.constant 0 : i32
        %dma_wait3A_277 = tpu.memref_slice %arg2[%dma_wait3A_275, %dma_wait3A_276] : memref<1000x128xf32, #tpu.memory_space<hbm>> -> memref<64x128xf32, #tpu.memory_space<hbm>>
        tpu.wait_dma2 semaphore(%run_scoped3A_263 : memref<!tpu.dma_semaphore, #tpu.memory_space<semaphore_mem>>) src(%dma_wait3A_277 : memref<64x128xf32, #tpu.memory_space<hbm>>) dst(%dma_wait3A_274 : memref<64x128xf32, #tpu.memory_space<vmem_shared>>)
        tpu.yield
      }) : () -> ()
    } else {
    }
    %eq3A_50 = arith.constant 10 : i32
    %eq3A_51 = arith.cmpi eq, %arg1, %eq3A_50 : i32
    %convert_element_type3A_52 = arith.extui %eq3A_51 : i1 to i32
    %cond3A_53 = arith.constant 0 : i32
    %cond3A_54 = arith.cmpi ne, %convert_element_type3A_52, %cond3A_53 : i32
    scf.if %cond3A_54 {
      %run_scoped3A = arith.constant 0 : i32
      "tpu.region"() ({
        %run_scoped3A_263 = tpu.sem_alloc : memref<!tpu.dma_semaphore, #tpu.memory_space<semaphore_mem>>
        %dma_start3A_264 = arith.constant 640 : i32
        %dma_start3A_265 = arith.constant 0 : i32
        %dma_start3A_266 = tpu.memref_slice %arg7[%run_scoped3A, %dma_start3A_264, %dma_start3A_265] : memref<1x1000x128xf32, #tpu.memory_space<vmem_shared>> -> memref<1x64x128xf32, #tpu.memory_space<vmem_shared>>
        %dma_start3A_267 = tpu.memref_squeeze %dma_start3A_266 : memref<1x64x128xf32, #tpu.memory_space<vmem_shared>> -> memref<64x128xf32, #tpu.memory_space<vmem_shared>>
        %dma_start3A_268 = arith.constant 640 : i32
        %dma_start3A_269 = arith.constant 0 : i32
        %dma_start3A_270 = tpu.memref_slice %arg2[%dma_start3A_268, %dma_start3A_269] : memref<1000x128xf32, #tpu.memory_space<hbm>> -> memref<64x128xf32, #tpu.memory_space<hbm>>
        tpu.enqueue_dma source(%dma_start3A_270 : memref<64x128xf32, #tpu.memory_space<hbm>>) target(%dma_start3A_267 : memref<64x128xf32, #tpu.memory_space<vmem_shared>>) target_semaphore(%run_scoped3A_263 : memref<!tpu.dma_semaphore, #tpu.memory_space<semaphore_mem>>)
        %dma_wait3A_271 = arith.constant 640 : i32
        %dma_wait3A_272 = arith.constant 0 : i32
        %dma_wait3A_273 = tpu.memref_slice %arg7[%run_scoped3A, %dma_wait3A_271, %dma_wait3A_272] : memref<1x1000x128xf32, #tpu.memory_space<vmem_shared>> -> memref<1x64x128xf32, #tpu.memory_space<vmem_shared>>
        %dma_wait3A_274 = tpu.memref_squeeze %dma_wait3A_273 : memref<1x64x128xf32, #tpu.memory_space<vmem_shared>> -> memref<64x128xf32, #tpu.memory_space<vmem_shared>>
        %dma_wait3A_275 = arith.constant 640 : i32
        %dma_wait3A_276 = arith.constant 0 : i32
        %dma_wait3A_277 = tpu.memref_slice %arg2[%dma_wait3A_275, %dma_wait3A_276] : memref<1000x128xf32, #tpu.memory_space<hbm>> -> memref<64x128xf32, #tpu.memory_space<hbm>>
        tpu.wait_dma2 semaphore(%run_scoped3A_263 : memref<!tpu.dma_semaphore, #tpu.memory_space<semaphore_mem>>) src(%dma_wait3A_277 : memref<64x128xf32, #tpu.memory_space<hbm>>) dst(%dma_wait3A_274 : memref<64x128xf32, #tpu.memory_space<vmem_shared>>)
        tpu.yield
      }) : () -> ()
    } else {
    }
    %eq3A_55 = arith.constant 11 : i32
    %eq3A_56 = arith.cmpi eq, %arg1, %eq3A_55 : i32
    %convert_element_type3A_57 = arith.extui %eq3A_56 : i1 to i32
    %cond3A_58 = arith.constant 0 : i32
    %cond3A_59 = arith.cmpi ne, %convert_element_type3A_57, %cond3A_58 : i32
    scf.if %cond3A_59 {
      %run_scoped3A = arith.constant 0 : i32
      "tpu.region"() ({
        %run_scoped3A_263 = tpu.sem_alloc : memref<!tpu.dma_semaphore, #tpu.memory_space<semaphore_mem>>
        %dma_start3A_264 = arith.constant 704 : i32
        %dma_start3A_265 = arith.constant 0 : i32
        %dma_start3A_266 = tpu.memref_slice %arg7[%run_scoped3A, %dma_start3A_264, %dma_start3A_265] : memref<1x1000x128xf32, #tpu.memory_space<vmem_shared>> -> memref<1x64x128xf32, #tpu.memory_space<vmem_shared>>
        %dma_start3A_267 = tpu.memref_squeeze %dma_start3A_266 : memref<1x64x128xf32, #tpu.memory_space<vmem_shared>> -> memref<64x128xf32, #tpu.memory_space<vmem_shared>>
        %dma_start3A_268 = arith.constant 704 : i32
        %dma_start3A_269 = arith.constant 0 : i32
        %dma_start3A_270 = tpu.memref_slice %arg2[%dma_start3A_268, %dma_start3A_269] : memref<1000x128xf32, #tpu.memory_space<hbm>> -> memref<64x128xf32, #tpu.memory_space<hbm>>
        tpu.enqueue_dma source(%dma_start3A_270 : memref<64x128xf32, #tpu.memory_space<hbm>>) target(%dma_start3A_267 : memref<64x128xf32, #tpu.memory_space<vmem_shared>>) target_semaphore(%run_scoped3A_263 : memref<!tpu.dma_semaphore, #tpu.memory_space<semaphore_mem>>)
        %dma_wait3A_271 = arith.constant 704 : i32
        %dma_wait3A_272 = arith.constant 0 : i32
        %dma_wait3A_273 = tpu.memref_slice %arg7[%run_scoped3A, %dma_wait3A_271, %dma_wait3A_272] : memref<1x1000x128xf32, #tpu.memory_space<vmem_shared>> -> memref<1x64x128xf32, #tpu.memory_space<vmem_shared>>
        %dma_wait3A_274 = tpu.memref_squeeze %dma_wait3A_273 : memref<1x64x128xf32, #tpu.memory_space<vmem_shared>> -> memref<64x128xf32, #tpu.memory_space<vmem_shared>>
        %dma_wait3A_275 = arith.constant 704 : i32
        %dma_wait3A_276 = arith.constant 0 : i32
        %dma_wait3A_277 = tpu.memref_slice %arg2[%dma_wait3A_275, %dma_wait3A_276] : memref<1000x128xf32, #tpu.memory_space<hbm>> -> memref<64x128xf32, #tpu.memory_space<hbm>>
        tpu.wait_dma2 semaphore(%run_scoped3A_263 : memref<!tpu.dma_semaphore, #tpu.memory_space<semaphore_mem>>) src(%dma_wait3A_277 : memref<64x128xf32, #tpu.memory_space<hbm>>) dst(%dma_wait3A_274 : memref<64x128xf32, #tpu.memory_space<vmem_shared>>)
        tpu.yield
      }) : () -> ()
    } else {
    }
    %eq3A_60 = arith.constant 12 : i32
    %eq3A_61 = arith.cmpi eq, %arg1, %eq3A_60 : i32
    %convert_element_type3A_62 = arith.extui %eq3A_61 : i1 to i32
    %cond3A_63 = arith.constant 0 : i32
    %cond3A_64 = arith.cmpi ne, %convert_element_type3A_62, %cond3A_63 : i32
    scf.if %cond3A_64 {
      %run_scoped3A = arith.constant 0 : i32
      "tpu.region"() ({
        %run_scoped3A_263 = tpu.sem_alloc : memref<!tpu.dma_semaphore, #tpu.memory_space<semaphore_mem>>
        %dma_start3A_264 = arith.constant 768 : i32
        %dma_start3A_265 = arith.constant 0 : i32
        %dma_start3A_266 = tpu.memref_slice %arg7[%run_scoped3A, %dma_start3A_264, %dma_start3A_265] : memref<1x1000x128xf32, #tpu.memory_space<vmem_shared>> -> memref<1x64x128xf32, #tpu.memory_space<vmem_shared>>
        %dma_start3A_267 = tpu.memref_squeeze %dma_start3A_266 : memref<1x64x128xf32, #tpu.memory_space<vmem_shared>> -> memref<64x128xf32, #tpu.memory_space<vmem_shared>>
        %dma_start3A_268 = arith.constant 768 : i32
        %dma_start3A_269 = arith.constant 0 : i32
        %dma_start3A_270 = tpu.memref_slice %arg2[%dma_start3A_268, %dma_start3A_269] : memref<1000x128xf32, #tpu.memory_space<hbm>> -> memref<64x128xf32, #tpu.memory_space<hbm>>
        tpu.enqueue_dma source(%dma_start3A_270 : memref<64x128xf32, #tpu.memory_space<hbm>>) target(%dma_start3A_267 : memref<64x128xf32, #tpu.memory_space<vmem_shared>>) target_semaphore(%run_scoped3A_263 : memref<!tpu.dma_semaphore, #tpu.memory_space<semaphore_mem>>)
        %dma_wait3A_271 = arith.constant 768 : i32
        %dma_wait3A_272 = arith.constant 0 : i32
        %dma_wait3A_273 = tpu.memref_slice %arg7[%run_scoped3A, %dma_wait3A_271, %dma_wait3A_272] : memref<1x1000x128xf32, #tpu.memory_space<vmem_shared>> -> memref<1x64x128xf32, #tpu.memory_space<vmem_shared>>
        %dma_wait3A_274 = tpu.memref_squeeze %dma_wait3A_273 : memref<1x64x128xf32, #tpu.memory_space<vmem_shared>> -> memref<64x128xf32, #tpu.memory_space<vmem_shared>>
        %dma_wait3A_275 = arith.constant 768 : i32
        %dma_wait3A_276 = arith.constant 0 : i32
        %dma_wait3A_277 = tpu.memref_slice %arg2[%dma_wait3A_275, %dma_wait3A_276] : memref<1000x128xf32, #tpu.memory_space<hbm>> -> memref<64x128xf32, #tpu.memory_space<hbm>>
        tpu.wait_dma2 semaphore(%run_scoped3A_263 : memref<!tpu.dma_semaphore, #tpu.memory_space<semaphore_mem>>) src(%dma_wait3A_277 : memref<64x128xf32, #tpu.memory_space<hbm>>) dst(%dma_wait3A_274 : memref<64x128xf32, #tpu.memory_space<vmem_shared>>)
        tpu.yield
      }) : () -> ()
    } else {
    }
    %eq3A_65 = arith.constant 13 : i32
    %eq3A_66 = arith.cmpi eq, %arg1, %eq3A_65 : i32
    %convert_element_type3A_67 = arith.extui %eq3A_66 : i1 to i32
    %cond3A_68 = arith.constant 0 : i32
    %cond3A_69 = arith.cmpi ne, %convert_element_type3A_67, %cond3A_68 : i32
    scf.if %cond3A_69 {
      %run_scoped3A = arith.constant 0 : i32
      "tpu.region"() ({
        %run_scoped3A_263 = tpu.sem_alloc : memref<!tpu.dma_semaphore, #tpu.memory_space<semaphore_mem>>
        %dma_start3A_264 = arith.constant 832 : i32
        %dma_start3A_265 = arith.constant 0 : i32
        %dma_start3A_266 = tpu.memref_slice %arg7[%run_scoped3A, %dma_start3A_264, %dma_start3A_265] : memref<1x1000x128xf32, #tpu.memory_space<vmem_shared>> -> memref<1x64x128xf32, #tpu.memory_space<vmem_shared>>
        %dma_start3A_267 = tpu.memref_squeeze %dma_start3A_266 : memref<1x64x128xf32, #tpu.memory_space<vmem_shared>> -> memref<64x128xf32, #tpu.memory_space<vmem_shared>>
        %dma_start3A_268 = arith.constant 832 : i32
        %dma_start3A_269 = arith.constant 0 : i32
        %dma_start3A_270 = tpu.memref_slice %arg2[%dma_start3A_268, %dma_start3A_269] : memref<1000x128xf32, #tpu.memory_space<hbm>> -> memref<64x128xf32, #tpu.memory_space<hbm>>
        tpu.enqueue_dma source(%dma_start3A_270 : memref<64x128xf32, #tpu.memory_space<hbm>>) target(%dma_start3A_267 : memref<64x128xf32, #tpu.memory_space<vmem_shared>>) target_semaphore(%run_scoped3A_263 : memref<!tpu.dma_semaphore, #tpu.memory_space<semaphore_mem>>)
        %dma_wait3A_271 = arith.constant 832 : i32
        %dma_wait3A_272 = arith.constant 0 : i32
        %dma_wait3A_273 = tpu.memref_slice %arg7[%run_scoped3A, %dma_wait3A_271, %dma_wait3A_272] : memref<1x1000x128xf32, #tpu.memory_space<vmem_shared>> -> memref<1x64x128xf32, #tpu.memory_space<vmem_shared>>
        %dma_wait3A_274 = tpu.memref_squeeze %dma_wait3A_273 : memref<1x64x128xf32, #tpu.memory_space<vmem_shared>> -> memref<64x128xf32, #tpu.memory_space<vmem_shared>>
        %dma_wait3A_275 = arith.constant 832 : i32
        %dma_wait3A_276 = arith.constant 0 : i32
        %dma_wait3A_277 = tpu.memref_slice %arg2[%dma_wait3A_275, %dma_wait3A_276] : memref<1000x128xf32, #tpu.memory_space<hbm>> -> memref<64x128xf32, #tpu.memory_space<hbm>>
        tpu.wait_dma2 semaphore(%run_scoped3A_263 : memref<!tpu.dma_semaphore, #tpu.memory_space<semaphore_mem>>) src(%dma_wait3A_277 : memref<64x128xf32, #tpu.memory_space<hbm>>) dst(%dma_wait3A_274 : memref<64x128xf32, #tpu.memory_space<vmem_shared>>)
        tpu.yield
      }) : () -> ()
    } else {
    }
    %eq3A_70 = arith.constant 14 : i32
    %eq3A_71 = arith.cmpi eq, %arg1, %eq3A_70 : i32
    %convert_element_type3A_72 = arith.extui %eq3A_71 : i1 to i32
    %cond3A_73 = arith.constant 0 : i32
    %cond3A_74 = arith.cmpi ne, %convert_element_type3A_72, %cond3A_73 : i32
    scf.if %cond3A_74 {
      %run_scoped3A = arith.constant 0 : i32
      "tpu.region"() ({
        %run_scoped3A_263 = tpu.sem_alloc : memref<!tpu.dma_semaphore, #tpu.memory_space<semaphore_mem>>
        %dma_start3A_264 = arith.constant 896 : i32
        %dma_start3A_265 = arith.constant 0 : i32
        %dma_start3A_266 = tpu.memref_slice %arg7[%run_scoped3A, %dma_start3A_264, %dma_start3A_265] : memref<1x1000x128xf32, #tpu.memory_space<vmem_shared>> -> memref<1x64x128xf32, #tpu.memory_space<vmem_shared>>
        %dma_start3A_267 = tpu.memref_squeeze %dma_start3A_266 : memref<1x64x128xf32, #tpu.memory_space<vmem_shared>> -> memref<64x128xf32, #tpu.memory_space<vmem_shared>>
        %dma_start3A_268 = arith.constant 896 : i32
        %dma_start3A_269 = arith.constant 0 : i32
        %dma_start3A_270 = tpu.memref_slice %arg2[%dma_start3A_268, %dma_start3A_269] : memref<1000x128xf32, #tpu.memory_space<hbm>> -> memref<64x128xf32, #tpu.memory_space<hbm>>
        tpu.enqueue_dma source(%dma_start3A_270 : memref<64x128xf32, #tpu.memory_space<hbm>>) target(%dma_start3A_267 : memref<64x128xf32, #tpu.memory_space<vmem_shared>>) target_semaphore(%run_scoped3A_263 : memref<!tpu.dma_semaphore, #tpu.memory_space<semaphore_mem>>)
        %dma_wait3A_271 = arith.constant 896 : i32
        %dma_wait3A_272 = arith.constant 0 : i32
        %dma_wait3A_273 = tpu.memref_slice %arg7[%run_scoped3A, %dma_wait3A_271, %dma_wait3A_272] : memref<1x1000x128xf32, #tpu.memory_space<vmem_shared>> -> memref<1x64x128xf32, #tpu.memory_space<vmem_shared>>
        %dma_wait3A_274 = tpu.memref_squeeze %dma_wait3A_273 : memref<1x64x128xf32, #tpu.memory_space<vmem_shared>> -> memref<64x128xf32, #tpu.memory_space<vmem_shared>>
        %dma_wait3A_275 = arith.constant 896 : i32
        %dma_wait3A_276 = arith.constant 0 : i32
        %dma_wait3A_277 = tpu.memref_slice %arg2[%dma_wait3A_275, %dma_wait3A_276] : memref<1000x128xf32, #tpu.memory_space<hbm>> -> memref<64x128xf32, #tpu.memory_space<hbm>>
        tpu.wait_dma2 semaphore(%run_scoped3A_263 : memref<!tpu.dma_semaphore, #tpu.memory_space<semaphore_mem>>) src(%dma_wait3A_277 : memref<64x128xf32, #tpu.memory_space<hbm>>) dst(%dma_wait3A_274 : memref<64x128xf32, #tpu.memory_space<vmem_shared>>)
        tpu.yield
      }) : () -> ()
    } else {
    }
    %eq3A_75 = arith.constant 15 : i32
    %eq3A_76 = arith.cmpi eq, %arg1, %eq3A_75 : i32
    %convert_element_type3A_77 = arith.extui %eq3A_76 : i1 to i32
    %cond3A_78 = arith.constant 0 : i32
    %cond3A_79 = arith.cmpi ne, %convert_element_type3A_77, %cond3A_78 : i32
    scf.if %cond3A_79 {
      %run_scoped3A = arith.constant 0 : i32
      "tpu.region"() ({
        %run_scoped3A_263 = tpu.sem_alloc : memref<!tpu.dma_semaphore, #tpu.memory_space<semaphore_mem>>
        %dma_start3A_264 = arith.constant 960 : i32
        %dma_start3A_265 = arith.constant 0 : i32
        %dma_start3A_266 = tpu.memref_slice %arg7[%run_scoped3A, %dma_start3A_264, %dma_start3A_265] : memref<1x1000x128xf32, #tpu.memory_space<vmem_shared>> -> memref<1x40x128xf32, #tpu.memory_space<vmem_shared>>
        %dma_start3A_267 = tpu.memref_squeeze %dma_start3A_266 : memref<1x40x128xf32, #tpu.memory_space<vmem_shared>> -> memref<40x128xf32, #tpu.memory_space<vmem_shared>>
        %dma_start3A_268 = arith.constant 960 : i32
        %dma_start3A_269 = arith.constant 0 : i32
        %dma_start3A_270 = tpu.memref_slice %arg2[%dma_start3A_268, %dma_start3A_269] : memref<1000x128xf32, #tpu.memory_space<hbm>> -> memref<40x128xf32, #tpu.memory_space<hbm>>
        tpu.enqueue_dma source(%dma_start3A_270 : memref<40x128xf32, #tpu.memory_space<hbm>>) target(%dma_start3A_267 : memref<40x128xf32, #tpu.memory_space<vmem_shared>>) target_semaphore(%run_scoped3A_263 : memref<!tpu.dma_semaphore, #tpu.memory_space<semaphore_mem>>)
        %dma_wait3A_271 = arith.constant 960 : i32
        %dma_wait3A_272 = arith.constant 0 : i32
        %dma_wait3A_273 = tpu.memref_slice %arg7[%run_scoped3A, %dma_wait3A_271, %dma_wait3A_272] : memref<1x1000x128xf32, #tpu.memory_space<vmem_shared>> -> memref<1x40x128xf32, #tpu.memory_space<vmem_shared>>
        %dma_wait3A_274 = tpu.memref_squeeze %dma_wait3A_273 : memref<1x40x128xf32, #tpu.memory_space<vmem_shared>> -> memref<40x128xf32, #tpu.memory_space<vmem_shared>>
        %dma_wait3A_275 = arith.constant 960 : i32
        %dma_wait3A_276 = arith.constant 0 : i32
        %dma_wait3A_277 = tpu.memref_slice %arg2[%dma_wait3A_275, %dma_wait3A_276] : memref<1000x128xf32, #tpu.memory_space<hbm>> -> memref<40x128xf32, #tpu.memory_space<hbm>>
        tpu.wait_dma2 semaphore(%run_scoped3A_263 : memref<!tpu.dma_semaphore, #tpu.memory_space<semaphore_mem>>) src(%dma_wait3A_277 : memref<40x128xf32, #tpu.memory_space<hbm>>) dst(%dma_wait3A_274 : memref<40x128xf32, #tpu.memory_space<vmem_shared>>)
        tpu.yield
      }) : () -> ()
    } else {
    }
    "tpu.region"() ({
      %run_scoped3A = tpu.sem_alloc : memref<!tpu.dma_semaphore, #tpu.memory_space<semaphore_mem>>
      %dma_start3A_263 = tpu.memref_slice %arg3[%mul3A_2] : memref<16384xi32, #tpu.memory_space<hbm>> -> memref<512xi32, #tpu.memory_space<hbm>>
      %dma_start3A_264 = tpu.memref_slice %arg3[%mul3A_2] : memref<16384xi32, #tpu.memory_space<hbm>> -> memref<512xi32, #tpu.memory_space<hbm>>
      tpu.enqueue_dma source(%dma_start3A_264 : memref<512xi32, #tpu.memory_space<hbm>>) target(%arg5 : memref<512xi32, #tpu.memory_space<vmem>>) target_semaphore(%run_scoped3A : memref<!tpu.dma_semaphore, #tpu.memory_space<semaphore_mem>>)
      %dma_wait3A_265 = tpu.memref_slice %arg3[%mul3A_2] : memref<16384xi32, #tpu.memory_space<hbm>> -> memref<512xi32, #tpu.memory_space<hbm>>
      %dma_wait3A_266 = tpu.memref_slice %arg3[%mul3A_2] : memref<16384xi32, #tpu.memory_space<hbm>> -> memref<512xi32, #tpu.memory_space<hbm>>
      tpu.wait_dma2 semaphore(%run_scoped3A : memref<!tpu.dma_semaphore, #tpu.memory_space<semaphore_mem>>) src(%dma_wait3A_266 : memref<512xi32, #tpu.memory_space<hbm>>) dst(%arg5 : memref<512xi32, #tpu.memory_space<vmem>>)
      tpu.yield
    }) : () -> ()
    %barrier3A = arith.constant 0 : index
    tpu.barrier barrier_id(%barrier3A)
    %rem3A = arith.constant 1 : i32
    %rem3A_80 = arith.remsi %arg1, %rem3A : i32
    %dma_start3A = arith.constant 0 : i32
    %dma_start3A_81 = arith.constant 0 : i32
    %dma_start3A_82 = tpu.memref_slice %arg6[%dma_start3A, %dma_start3A_81] : memref<512x128xf32, #tpu.memory_space<vmem>> -> memref<128x128xf32, #tpu.memory_space<vmem>>
    %dma_start3A_83 = arith.constant 0 : i32
    %dma_start3A_84 = tpu.memref_slice %arg5[%dma_start3A_83] : memref<512xi32, #tpu.memory_space<vmem>> -> memref<128xi32, #tpu.memory_space<vmem>>
    %dma_start3A_85 = arith.constant 0 : i32
    %dma_start3A_86 = arith.constant 0 : i32
    %dma_start3A_87 = tpu.memref_slice %arg7[%rem3A_80, %dma_start3A_85, %dma_start3A_86] : memref<1x1000x128xf32, #tpu.memory_space<vmem_shared>> -> memref<1x1000x128xf32, #tpu.memory_space<vmem_shared>>
    %dma_start3A_88 = tpu.memref_squeeze %dma_start3A_87 : memref<1x1000x128xf32, #tpu.memory_space<vmem_shared>> -> memref<1000x128xf32, #tpu.memory_space<vmem_shared>>
    %dma_start3A_89 = arith.constant 0 : i32
    %dma_start3A_90 = arith.constant 0 : i32
    %dma_start3A_91 = tpu.memref_slice %dma_start3A_88[%dma_start3A_89, %dma_start3A_90] : memref<1000x128xf32, #tpu.memory_space<vmem_shared>> -> memref<1000x128xf32, #tpu.memory_space<vmem_shared>>
    tpu.enqueue_indirect_dma source(%dma_start3A_91 : memref<1000x128xf32, #tpu.memory_space<vmem_shared>>) target(%dma_start3A_82 : memref<128x128xf32, #tpu.memory_space<vmem>>) offsets(%dma_start3A_84 : memref<128xi32, #tpu.memory_space<vmem>>) semaphore(%arg8 : memref<!tpu.dma_semaphore, #tpu.memory_space<semaphore_mem>>)
    %dma_start3A_92 = arith.constant 128 : i32
    %dma_start3A_93 = arith.constant 0 : i32
    %dma_start3A_94 = tpu.memref_slice %arg6[%dma_start3A_92, %dma_start3A_93] : memref<512x128xf32, #tpu.memory_space<vmem>> -> memref<128x128xf32, #tpu.memory_space<vmem>>
    %dma_start3A_95 = arith.constant 128 : i32
    %dma_start3A_96 = tpu.memref_slice %arg5[%dma_start3A_95] : memref<512xi32, #tpu.memory_space<vmem>> -> memref<128xi32, #tpu.memory_space<vmem>>
    %dma_start3A_97 = arith.constant 0 : i32
    %dma_start3A_98 = arith.constant 0 : i32
    %dma_start3A_99 = tpu.memref_slice %arg7[%rem3A_80, %dma_start3A_97, %dma_start3A_98] : memref<1x1000x128xf32, #tpu.memory_space<vmem_shared>> -> memref<1x1000x128xf32, #tpu.memory_space<vmem_shared>>
    %dma_start3A_100 = tpu.memref_squeeze %dma_start3A_99 : memref<1x1000x128xf32, #tpu.memory_space<vmem_shared>> -> memref<1000x128xf32, #tpu.memory_space<vmem_shared>>
    %dma_start3A_101 = arith.constant 0 : i32
    %dma_start3A_102 = arith.constant 0 : i32
    %dma_start3A_103 = tpu.memref_slice %dma_start3A_100[%dma_start3A_101, %dma_start3A_102] : memref<1000x128xf32, #tpu.memory_space<vmem_shared>> -> memref<1000x128xf32, #tpu.memory_space<vmem_shared>>
    tpu.enqueue_indirect_dma source(%dma_start3A_103 : memref<1000x128xf32, #tpu.memory_space<vmem_shared>>) target(%dma_start3A_94 : memref<128x128xf32, #tpu.memory_space<vmem>>) offsets(%dma_start3A_96 : memref<128xi32, #tpu.memory_space<vmem>>) semaphore(%arg8 : memref<!tpu.dma_semaphore, #tpu.memory_space<semaphore_mem>>)
    %dma_start3A_104 = arith.constant 256 : i32
    %dma_start3A_105 = arith.constant 0 : i32
    %dma_start3A_106 = tpu.memref_slice %arg6[%dma_start3A_104, %dma_start3A_105] : memref<512x128xf32, #tpu.memory_space<vmem>> -> memref<128x128xf32, #tpu.memory_space<vmem>>
    %dma_start3A_107 = arith.constant 256 : i32
    %dma_start3A_108 = tpu.memref_slice %arg5[%dma_start3A_107] : memref<512xi32, #tpu.memory_space<vmem>> -> memref<128xi32, #tpu.memory_space<vmem>>
    %dma_start3A_109 = arith.constant 0 : i32
    %dma_start3A_110 = arith.constant 0 : i32
    %dma_start3A_111 = tpu.memref_slice %arg7[%rem3A_80, %dma_start3A_109, %dma_start3A_110] : memref<1x1000x128xf32, #tpu.memory_space<vmem_shared>> -> memref<1x1000x128xf32, #tpu.memory_space<vmem_shared>>
    %dma_start3A_112 = tpu.memref_squeeze %dma_start3A_111 : memref<1x1000x128xf32, #tpu.memory_space<vmem_shared>> -> memref<1000x128xf32, #tpu.memory_space<vmem_shared>>
    %dma_start3A_113 = arith.constant 0 : i32
    %dma_start3A_114 = arith.constant 0 : i32
    %dma_start3A_115 = tpu.memref_slice %dma_start3A_112[%dma_start3A_113, %dma_start3A_114] : memref<1000x128xf32, #tpu.memory_space<vmem_shared>> -> memref<1000x128xf32, #tpu.memory_space<vmem_shared>>
    tpu.enqueue_indirect_dma source(%dma_start3A_115 : memref<1000x128xf32, #tpu.memory_space<vmem_shared>>) target(%dma_start3A_106 : memref<128x128xf32, #tpu.memory_space<vmem>>) offsets(%dma_start3A_108 : memref<128xi32, #tpu.memory_space<vmem>>) semaphore(%arg8 : memref<!tpu.dma_semaphore, #tpu.memory_space<semaphore_mem>>)
    %dma_start3A_116 = arith.constant 384 : i32
    %dma_start3A_117 = arith.constant 0 : i32
    %dma_start3A_118 = tpu.memref_slice %arg6[%dma_start3A_116, %dma_start3A_117] : memref<512x128xf32, #tpu.memory_space<vmem>> -> memref<128x128xf32, #tpu.memory_space<vmem>>
    %dma_start3A_119 = arith.constant 384 : i32
    %dma_start3A_120 = tpu.memref_slice %arg5[%dma_start3A_119] : memref<512xi32, #tpu.memory_space<vmem>> -> memref<128xi32, #tpu.memory_space<vmem>>
    %dma_start3A_121 = arith.constant 0 : i32
    %dma_start3A_122 = arith.constant 0 : i32
    %dma_start3A_123 = tpu.memref_slice %arg7[%rem3A_80, %dma_start3A_121, %dma_start3A_122] : memref<1x1000x128xf32, #tpu.memory_space<vmem_shared>> -> memref<1x1000x128xf32, #tpu.memory_space<vmem_shared>>
    %dma_start3A_124 = tpu.memref_squeeze %dma_start3A_123 : memref<1x1000x128xf32, #tpu.memory_space<vmem_shared>> -> memref<1000x128xf32, #tpu.memory_space<vmem_shared>>
    %dma_start3A_125 = arith.constant 0 : i32
    %dma_start3A_126 = arith.constant 0 : i32
    %dma_start3A_127 = tpu.memref_slice %dma_start3A_124[%dma_start3A_125, %dma_start3A_126] : memref<1000x128xf32, #tpu.memory_space<vmem_shared>> -> memref<1000x128xf32, #tpu.memory_space<vmem_shared>>
    tpu.enqueue_indirect_dma source(%dma_start3A_127 : memref<1000x128xf32, #tpu.memory_space<vmem_shared>>) target(%dma_start3A_118 : memref<128x128xf32, #tpu.memory_space<vmem>>) offsets(%dma_start3A_120 : memref<128xi32, #tpu.memory_space<vmem>>) semaphore(%arg8 : memref<!tpu.dma_semaphore, #tpu.memory_space<semaphore_mem>>)
    %dma_wait3A = arith.constant 0 : i32
    %dma_wait3A_128 = arith.constant 0 : i32
    %dma_wait3A_129 = tpu.memref_slice %arg6[%dma_wait3A, %dma_wait3A_128] : memref<512x128xf32, #tpu.memory_space<vmem>> -> memref<128x128xf32, #tpu.memory_space<vmem>>
    %dma_wait3A_130 = arith.constant 0 : i32
    %dma_wait3A_131 = tpu.memref_slice %arg5[%dma_wait3A_130] : memref<512xi32, #tpu.memory_space<vmem>> -> memref<128xi32, #tpu.memory_space<vmem>>
    %dma_wait3A_132 = arith.constant 0 : i32
    %dma_wait3A_133 = arith.constant 0 : i32
    %dma_wait3A_134 = tpu.memref_slice %arg7[%rem3A_80, %dma_wait3A_132, %dma_wait3A_133] : memref<1x1000x128xf32, #tpu.memory_space<vmem_shared>> -> memref<1x1000x128xf32, #tpu.memory_space<vmem_shared>>
    %dma_wait3A_135 = tpu.memref_squeeze %dma_wait3A_134 : memref<1x1000x128xf32, #tpu.memory_space<vmem_shared>> -> memref<1000x128xf32, #tpu.memory_space<vmem_shared>>
    %dma_wait3A_136 = arith.constant 0 : i32
    %dma_wait3A_137 = arith.constant 0 : i32
    %dma_wait3A_138 = tpu.memref_slice %dma_wait3A_135[%dma_wait3A_136, %dma_wait3A_137] : memref<1000x128xf32, #tpu.memory_space<vmem_shared>> -> memref<1000x128xf32, #tpu.memory_space<vmem_shared>>
    tpu.wait_indirect_dma semaphore(%arg8 : memref<!tpu.dma_semaphore, #tpu.memory_space<semaphore_mem>>) src(%dma_wait3A_138 : memref<1000x128xf32, #tpu.memory_space<vmem_shared>>) dst(%dma_wait3A_129 : memref<128x128xf32, #tpu.memory_space<vmem>>)
    %add3A_139 = arith.constant 0 : i32
    %add3A_140 = arith.addi %mul3A_2, %add3A_139 : i32
    %dma_start3A_141 = arith.constant 0 : i32
    %dma_start3A_142 = arith.constant 0 : i32
    %dma_start3A_143 = tpu.memref_slice %arg6[%dma_start3A_141, %dma_start3A_142] : memref<512x128xf32, #tpu.memory_space<vmem>> -> memref<128x128xf32, #tpu.memory_space<vmem>>
    %dma_start3A_144 = arith.constant 0 : i32
    %dma_start3A_145 = tpu.memref_slice %arg4[%add3A_140, %dma_start3A_144] : memref<16384x256xf32, #tpu.memory_space<hbm>> -> memref<128x128xf32, #tpu.memory_space<hbm>>
    %dma_start3A_146 = arith.constant 0 : i32
    %dma_start3A_147 = tpu.memref_slice %arg4[%add3A_140, %dma_start3A_146] : memref<16384x256xf32, #tpu.memory_space<hbm>> -> memref<128x128xf32, #tpu.memory_space<hbm>>
    %dma_start3A_148 = arith.constant 0 : i32
    %dma_start3A_149 = arith.constant 0 : i32
    %dma_start3A_150 = tpu.memref_slice %arg6[%dma_start3A_148, %dma_start3A_149] : memref<512x128xf32, #tpu.memory_space<vmem>> -> memref<128x128xf32, #tpu.memory_space<vmem>>
    tpu.enqueue_dma source(%dma_start3A_150 : memref<128x128xf32, #tpu.memory_space<vmem>>) target(%dma_start3A_147 : memref<128x128xf32, #tpu.memory_space<hbm>>) target_semaphore(%arg9 : memref<!tpu.dma_semaphore, #tpu.memory_space<semaphore_mem>>)
    %dma_wait3A_151 = arith.constant 128 : i32
    %dma_wait3A_152 = arith.constant 0 : i32
    %dma_wait3A_153 = tpu.memref_slice %arg6[%dma_wait3A_151, %dma_wait3A_152] : memref<512x128xf32, #tpu.memory_space<vmem>> -> memref<128x128xf32, #tpu.memory_space<vmem>>
    %dma_wait3A_154 = arith.constant 128 : i32
    %dma_wait3A_155 = tpu.memref_slice %arg5[%dma_wait3A_154] : memref<512xi32, #tpu.memory_space<vmem>> -> memref<128xi32, #tpu.memory_space<vmem>>
    %dma_wait3A_156 = arith.constant 0 : i32
    %dma_wait3A_157 = arith.constant 0 : i32
    %dma_wait3A_158 = tpu.memref_slice %arg7[%rem3A_80, %dma_wait3A_156, %dma_wait3A_157] : memref<1x1000x128xf32, #tpu.memory_space<vmem_shared>> -> memref<1x1000x128xf32, #tpu.memory_space<vmem_shared>>
    %dma_wait3A_159 = tpu.memref_squeeze %dma_wait3A_158 : memref<1x1000x128xf32, #tpu.memory_space<vmem_shared>> -> memref<1000x128xf32, #tpu.memory_space<vmem_shared>>
    %dma_wait3A_160 = arith.constant 0 : i32
    %dma_wait3A_161 = arith.constant 0 : i32
    %dma_wait3A_162 = tpu.memref_slice %dma_wait3A_159[%dma_wait3A_160, %dma_wait3A_161] : memref<1000x128xf32, #tpu.memory_space<vmem_shared>> -> memref<1000x128xf32, #tpu.memory_space<vmem_shared>>
    tpu.wait_indirect_dma semaphore(%arg8 : memref<!tpu.dma_semaphore, #tpu.memory_space<semaphore_mem>>) src(%dma_wait3A_162 : memref<1000x128xf32, #tpu.memory_space<vmem_shared>>) dst(%dma_wait3A_153 : memref<128x128xf32, #tpu.memory_space<vmem>>)
    %add3A_163 = arith.constant 128 : i32
    %add3A_164 = arith.addi %mul3A_2, %add3A_163 : i32
    %dma_start3A_165 = arith.constant 128 : i32
    %dma_start3A_166 = arith.constant 0 : i32
    %dma_start3A_167 = tpu.memref_slice %arg6[%dma_start3A_165, %dma_start3A_166] : memref<512x128xf32, #tpu.memory_space<vmem>> -> memref<128x128xf32, #tpu.memory_space<vmem>>
    %dma_start3A_168 = arith.constant 0 : i32
    %dma_start3A_169 = tpu.memref_slice %arg4[%add3A_164, %dma_start3A_168] : memref<16384x256xf32, #tpu.memory_space<hbm>> -> memref<128x128xf32, #tpu.memory_space<hbm>>
    %dma_start3A_170 = arith.constant 0 : i32
    %dma_start3A_171 = tpu.memref_slice %arg4[%add3A_164, %dma_start3A_170] : memref<16384x256xf32, #tpu.memory_space<hbm>> -> memref<128x128xf32, #tpu.memory_space<hbm>>
    %dma_start3A_172 = arith.constant 128 : i32
    %dma_start3A_173 = arith.constant 0 : i32
    %dma_start3A_174 = tpu.memref_slice %arg6[%dma_start3A_172, %dma_start3A_173] : memref<512x128xf32, #tpu.memory_space<vmem>> -> memref<128x128xf32, #tpu.memory_space<vmem>>
    tpu.enqueue_dma source(%dma_start3A_174 : memref<128x128xf32, #tpu.memory_space<vmem>>) target(%dma_start3A_171 : memref<128x128xf32, #tpu.memory_space<hbm>>) target_semaphore(%arg9 : memref<!tpu.dma_semaphore, #tpu.memory_space<semaphore_mem>>)
    %dma_wait3A_175 = arith.constant 256 : i32
    %dma_wait3A_176 = arith.constant 0 : i32
    %dma_wait3A_177 = tpu.memref_slice %arg6[%dma_wait3A_175, %dma_wait3A_176] : memref<512x128xf32, #tpu.memory_space<vmem>> -> memref<128x128xf32, #tpu.memory_space<vmem>>
    %dma_wait3A_178 = arith.constant 256 : i32
    %dma_wait3A_179 = tpu.memref_slice %arg5[%dma_wait3A_178] : memref<512xi32, #tpu.memory_space<vmem>> -> memref<128xi32, #tpu.memory_space<vmem>>
    %dma_wait3A_180 = arith.constant 0 : i32
    %dma_wait3A_181 = arith.constant 0 : i32
    %dma_wait3A_182 = tpu.memref_slice %arg7[%rem3A_80, %dma_wait3A_180, %dma_wait3A_181] : memref<1x1000x128xf32, #tpu.memory_space<vmem_shared>> -> memref<1x1000x128xf32, #tpu.memory_space<vmem_shared>>
    %dma_wait3A_183 = tpu.memref_squeeze %dma_wait3A_182 : memref<1x1000x128xf32, #tpu.memory_space<vmem_shared>> -> memref<1000x128xf32, #tpu.memory_space<vmem_shared>>
    %dma_wait3A_184 = arith.constant 0 : i32
    %dma_wait3A_185 = arith.constant 0 : i32
    %dma_wait3A_186 = tpu.memref_slice %dma_wait3A_183[%dma_wait3A_184, %dma_wait3A_185] : memref<1000x128xf32, #tpu.memory_space<vmem_shared>> -> memref<1000x128xf32, #tpu.memory_space<vmem_shared>>
    tpu.wait_indirect_dma semaphore(%arg8 : memref<!tpu.dma_semaphore, #tpu.memory_space<semaphore_mem>>) src(%dma_wait3A_186 : memref<1000x128xf32, #tpu.memory_space<vmem_shared>>) dst(%dma_wait3A_177 : memref<128x128xf32, #tpu.memory_space<vmem>>)
    %add3A_187 = arith.constant 256 : i32
    %add3A_188 = arith.addi %mul3A_2, %add3A_187 : i32
    %dma_start3A_189 = arith.constant 256 : i32
    %dma_start3A_190 = arith.constant 0 : i32
    %dma_start3A_191 = tpu.memref_slice %arg6[%dma_start3A_189, %dma_start3A_190] : memref<512x128xf32, #tpu.memory_space<vmem>> -> memref<128x128xf32, #tpu.memory_space<vmem>>
    %dma_start3A_192 = arith.constant 0 : i32
    %dma_start3A_193 = tpu.memref_slice %arg4[%add3A_188, %dma_start3A_192] : memref<16384x256xf32, #tpu.memory_space<hbm>> -> memref<128x128xf32, #tpu.memory_space<hbm>>
    %dma_start3A_194 = arith.constant 0 : i32
    %dma_start3A_195 = tpu.memref_slice %arg4[%add3A_188, %dma_start3A_194] : memref<16384x256xf32, #tpu.memory_space<hbm>> -> memref<128x128xf32, #tpu.memory_space<hbm>>
    %dma_start3A_196 = arith.constant 256 : i32
    %dma_start3A_197 = arith.constant 0 : i32
    %dma_start3A_198 = tpu.memref_slice %arg6[%dma_start3A_196, %dma_start3A_197] : memref<512x128xf32, #tpu.memory_space<vmem>> -> memref<128x128xf32, #tpu.memory_space<vmem>>
    tpu.enqueue_dma source(%dma_start3A_198 : memref<128x128xf32, #tpu.memory_space<vmem>>) target(%dma_start3A_195 : memref<128x128xf32, #tpu.memory_space<hbm>>) target_semaphore(%arg9 : memref<!tpu.dma_semaphore, #tpu.memory_space<semaphore_mem>>)
    %dma_wait3A_199 = arith.constant 384 : i32
    %dma_wait3A_200 = arith.constant 0 : i32
    %dma_wait3A_201 = tpu.memref_slice %arg6[%dma_wait3A_199, %dma_wait3A_200] : memref<512x128xf32, #tpu.memory_space<vmem>> -> memref<128x128xf32, #tpu.memory_space<vmem>>
    %dma_wait3A_202 = arith.constant 384 : i32
    %dma_wait3A_203 = tpu.memref_slice %arg5[%dma_wait3A_202] : memref<512xi32, #tpu.memory_space<vmem>> -> memref<128xi32, #tpu.memory_space<vmem>>
    %dma_wait3A_204 = arith.constant 0 : i32
    %dma_wait3A_205 = arith.constant 0 : i32
    %dma_wait3A_206 = tpu.memref_slice %arg7[%rem3A_80, %dma_wait3A_204, %dma_wait3A_205] : memref<1x1000x128xf32, #tpu.memory_space<vmem_shared>> -> memref<1x1000x128xf32, #tpu.memory_space<vmem_shared>>
    %dma_wait3A_207 = tpu.memref_squeeze %dma_wait3A_206 : memref<1x1000x128xf32, #tpu.memory_space<vmem_shared>> -> memref<1000x128xf32, #tpu.memory_space<vmem_shared>>
    %dma_wait3A_208 = arith.constant 0 : i32
    %dma_wait3A_209 = arith.constant 0 : i32
    %dma_wait3A_210 = tpu.memref_slice %dma_wait3A_207[%dma_wait3A_208, %dma_wait3A_209] : memref<1000x128xf32, #tpu.memory_space<vmem_shared>> -> memref<1000x128xf32, #tpu.memory_space<vmem_shared>>
    tpu.wait_indirect_dma semaphore(%arg8 : memref<!tpu.dma_semaphore, #tpu.memory_space<semaphore_mem>>) src(%dma_wait3A_210 : memref<1000x128xf32, #tpu.memory_space<vmem_shared>>) dst(%dma_wait3A_201 : memref<128x128xf32, #tpu.memory_space<vmem>>)
    %add3A_211 = arith.constant 384 : i32
    %add3A_212 = arith.addi %mul3A_2, %add3A_211 : i32
    %dma_start3A_213 = arith.constant 384 : i32
    %dma_start3A_214 = arith.constant 0 : i32
    %dma_start3A_215 = tpu.memref_slice %arg6[%dma_start3A_213, %dma_start3A_214] : memref<512x128xf32, #tpu.memory_space<vmem>> -> memref<128x128xf32, #tpu.memory_space<vmem>>
    %dma_start3A_216 = arith.constant 0 : i32
    %dma_start3A_217 = tpu.memref_slice %arg4[%add3A_212, %dma_start3A_216] : memref<16384x256xf32, #tpu.memory_space<hbm>> -> memref<128x128xf32, #tpu.memory_space<hbm>>
    %dma_start3A_218 = arith.constant 0 : i32
    %dma_start3A_219 = tpu.memref_slice %arg4[%add3A_212, %dma_start3A_218] : memref<16384x256xf32, #tpu.memory_space<hbm>> -> memref<128x128xf32, #tpu.memory_space<hbm>>
    %dma_start3A_220 = arith.constant 384 : i32
    %dma_start3A_221 = arith.constant 0 : i32
    %dma_start3A_222 = tpu.memref_slice %arg6[%dma_start3A_220, %dma_start3A_221] : memref<512x128xf32, #tpu.memory_space<vmem>> -> memref<128x128xf32, #tpu.memory_space<vmem>>
    tpu.enqueue_dma source(%dma_start3A_222 : memref<128x128xf32, #tpu.memory_space<vmem>>) target(%dma_start3A_219 : memref<128x128xf32, #tpu.memory_space<hbm>>) target_semaphore(%arg9 : memref<!tpu.dma_semaphore, #tpu.memory_space<semaphore_mem>>)
    %dma_wait3A_223 = arith.constant 0 : i32
    %dma_wait3A_224 = arith.constant 0 : i32
    %dma_wait3A_225 = tpu.memref_slice %arg6[%dma_wait3A_223, %dma_wait3A_224] : memref<512x128xf32, #tpu.memory_space<vmem>> -> memref<128x128xf32, #tpu.memory_space<vmem>>
    %dma_wait3A_226 = arith.constant 0 : i32
    %dma_wait3A_227 = tpu.memref_slice %arg4[%add3A_140, %dma_wait3A_226] : memref<16384x256xf32, #tpu.memory_space<hbm>> -> memref<128x128xf32, #tpu.memory_space<hbm>>
    %dma_wait3A_228 = arith.constant 0 : i32
    %dma_wait3A_229 = tpu.memref_slice %arg4[%add3A_140, %dma_wait3A_228] : memref<16384x256xf32, #tpu.memory_space<hbm>> -> memref<128x128xf32, #tpu.memory_space<hbm>>
    %dma_wait3A_230 = arith.constant 0 : i32
    %dma_wait3A_231 = arith.constant 0 : i32
    %dma_wait3A_232 = tpu.memref_slice %arg6[%dma_wait3A_230, %dma_wait3A_231] : memref<512x128xf32, #tpu.memory_space<vmem>> -> memref<128x128xf32, #tpu.memory_space<vmem>>
    tpu.wait_dma2 semaphore(%arg9 : memref<!tpu.dma_semaphore, #tpu.memory_space<semaphore_mem>>) src(%dma_wait3A_232 : memref<128x128xf32, #tpu.memory_space<vmem>>) dst(%dma_wait3A_229 : memref<128x128xf32, #tpu.memory_space<hbm>>)
    %dma_wait3A_233 = arith.constant 128 : i32
    %dma_wait3A_234 = arith.constant 0 : i32
    %dma_wait3A_235 = tpu.memref_slice %arg6[%dma_wait3A_233, %dma_wait3A_234] : memref<512x128xf32, #tpu.memory_space<vmem>> -> memref<128x128xf32, #tpu.memory_space<vmem>>
    %dma_wait3A_236 = arith.constant 0 : i32
    %dma_wait3A_237 = tpu.memref_slice %arg4[%add3A_164, %dma_wait3A_236] : memref<16384x256xf32, #tpu.memory_space<hbm>> -> memref<128x128xf32, #tpu.memory_space<hbm>>
    %dma_wait3A_238 = arith.constant 0 : i32
    %dma_wait3A_239 = tpu.memref_slice %arg4[%add3A_164, %dma_wait3A_238] : memref<16384x256xf32, #tpu.memory_space<hbm>> -> memref<128x128xf32, #tpu.memory_space<hbm>>
    %dma_wait3A_240 = arith.constant 128 : i32
    %dma_wait3A_241 = arith.constant 0 : i32
    %dma_wait3A_242 = tpu.memref_slice %arg6[%dma_wait3A_240, %dma_wait3A_241] : memref<512x128xf32, #tpu.memory_space<vmem>> -> memref<128x128xf32, #tpu.memory_space<vmem>>
    tpu.wait_dma2 semaphore(%arg9 : memref<!tpu.dma_semaphore, #tpu.memory_space<semaphore_mem>>) src(%dma_wait3A_242 : memref<128x128xf32, #tpu.memory_space<vmem>>) dst(%dma_wait3A_239 : memref<128x128xf32, #tpu.memory_space<hbm>>)
    %dma_wait3A_243 = arith.constant 256 : i32
    %dma_wait3A_244 = arith.constant 0 : i32
    %dma_wait3A_245 = tpu.memref_slice %arg6[%dma_wait3A_243, %dma_wait3A_244] : memref<512x128xf32, #tpu.memory_space<vmem>> -> memref<128x128xf32, #tpu.memory_space<vmem>>
    %dma_wait3A_246 = arith.constant 0 : i32
    %dma_wait3A_247 = tpu.memref_slice %arg4[%add3A_188, %dma_wait3A_246] : memref<16384x256xf32, #tpu.memory_space<hbm>> -> memref<128x128xf32, #tpu.memory_space<hbm>>
    %dma_wait3A_248 = arith.constant 0 : i32
    %dma_wait3A_249 = tpu.memref_slice %arg4[%add3A_188, %dma_wait3A_248] : memref<16384x256xf32, #tpu.memory_space<hbm>> -> memref<128x128xf32, #tpu.memory_space<hbm>>
    %dma_wait3A_250 = arith.constant 256 : i32
    %dma_wait3A_251 = arith.constant 0 : i32
    %dma_wait3A_252 = tpu.memref_slice %arg6[%dma_wait3A_250, %dma_wait3A_251] : memref<512x128xf32, #tpu.memory_space<vmem>> -> memref<128x128xf32, #tpu.memory_space<vmem>>
    tpu.wait_dma2 semaphore(%arg9 : memref<!tpu.dma_semaphore, #tpu.memory_space<semaphore_mem>>) src(%dma_wait3A_252 : memref<128x128xf32, #tpu.memory_space<vmem>>) dst(%dma_wait3A_249 : memref<128x128xf32, #tpu.memory_space<hbm>>)
    %dma_wait3A_253 = arith.constant 384 : i32
    %dma_wait3A_254 = arith.constant 0 : i32
    %dma_wait3A_255 = tpu.memref_slice %arg6[%dma_wait3A_253, %dma_wait3A_254] : memref<512x128xf32, #tpu.memory_space<vmem>> -> memref<128x128xf32, #tpu.memory_space<vmem>>
    %dma_wait3A_256 = arith.constant 0 : i32
    %dma_wait3A_257 = tpu.memref_slice %arg4[%add3A_212, %dma_wait3A_256] : memref<16384x256xf32, #tpu.memory_space<hbm>> -> memref<128x128xf32, #tpu.memory_space<hbm>>
    %dma_wait3A_258 = arith.constant 0 : i32
    %dma_wait3A_259 = tpu.memref_slice %arg4[%add3A_212, %dma_wait3A_258] : memref<16384x256xf32, #tpu.memory_space<hbm>> -> memref<128x128xf32, #tpu.memory_space<hbm>>
    %dma_wait3A_260 = arith.constant 384 : i32
    %dma_wait3A_261 = arith.constant 0 : i32
    %dma_wait3A_262 = tpu.memref_slice %arg6[%dma_wait3A_260, %dma_wait3A_261] : memref<512x128xf32, #tpu.memory_space<vmem>> -> memref<128x128xf32, #tpu.memory_space<vmem>>
    tpu.wait_dma2 semaphore(%arg9 : memref<!tpu.dma_semaphore, #tpu.memory_space<semaphore_mem>>) src(%dma_wait3A_262 : memref<128x128xf32, #tpu.memory_space<vmem>>) dst(%dma_wait3A_259 : memref<128x128xf32, #tpu.memory_space<hbm>>)
    return
  }
}

module attributes {stable_mosaic.version = 14 : i64} {
  func.func @body(%arg0: i32, %arg1: memref<8192x101xi32, #tpu.memory_space<vmem>>, %arg2: memref<101x129xf32, #tpu.memory_space<vmem>>, %arg3: memref<16384x256xf32, #tpu.memory_space<any>>, %arg4: memref<8192x128xf32, #tpu.memory_space<vmem>>) attributes {dimension_semantics = [#tpu.dimension_semantics<arbitrary>], iteration_bounds = array<i64: 2>, scalar_prefetch = 0 : i64, scratch_operands = 0 : i64, tpu.core_type = #tpu.core_type<tc>, window_params = [{transform_indices = @transform_0, window_bounds = array<i64: 8192, 101>}, {pipeline_mode = #tpu.pipeline_mode<synchronous>, transform_indices = @transform_1, window_bounds = array<i64: 101, 129>}, {}, {transform_indices = @transform_3, window_bounds = array<i64: 8192, 128>}]} {
    %get3A = arith.constant 0 : index
    %get3A_0 = arith.constant 0 : index
    %get3A_1 = vector.load %arg1[%get3A, %get3A_0] : memref<8192x101xi32, #tpu.memory_space<vmem>>, vector<8192x101xi32>
    %convert_element_type3A = arith.sitofp %get3A_1 : vector<8192x101xi32> to vector<8192x101xf32>
    %get3A_2 = arith.constant 0 : index
    %get3A_3 = arith.constant 0 : index
    %get3A_4 = vector.load %arg2[%get3A_2, %get3A_3] : memref<101x129xf32, #tpu.memory_space<vmem>>, vector<101x129xf32>
    %dot_general3A = arith.constant dense<0.000000e+00> : vector<8192x129xf32>
    %dot_general3A_5 = tpu.matmul %convert_element_type3A, %get3A_4, %dot_general3A {dimension_numbers = #tpu.dot_dimension_numbers<[1], [0], [0], [1], [0, 0, 1, 1], [], []>, transpose_lhs_hint = false} : vector<8192x101xf32>, vector<101x129xf32>, vector<8192x129xf32> -> vector<8192x129xf32>
    %slice3A = vector.extract_strided_slice %dot_general3A_5 {offsets = [0, 0], sizes = [8192, 128], strides = [1, 1]} : vector<8192x129xf32> to vector<8192x128xf32>
    %slice3A_6 = vector.extract_strided_slice %dot_general3A_5 {offsets = [0, 128], sizes = [8192, 1], strides = [1, 1]} : vector<8192x129xf32> to vector<8192x1xf32>
    %div3A = vector.broadcast %slice3A_6 : vector<8192x1xf32> to vector<8192x128xf32>
    %div3A_7 = arith.divf %slice3A, %div3A : vector<8192x128xf32>
    %swap3A = arith.constant 0 : index
    %swap3A_8 = arith.constant 0 : index
    %swap3A_9 = vector.load %arg4[%swap3A, %swap3A_8] : memref<8192x128xf32, #tpu.memory_space<vmem>>, vector<8192x128xf32>
    tpu.vector_store %arg4[%swap3A, %swap3A_8], %div3A_7 {strides = array<i32>} : memref<8192x128xf32, #tpu.memory_space<vmem>>, vector<8192x128xf32>,
    return
  }
  func.func @transform_0(%arg0: i32) -> (i32, i32) {
    %c0_i32 = arith.constant 0 : i32
    %c0_i32_0 = arith.constant 0 : i32
    return %arg0, %c0_i32 : i32, i32
  }
  func.func @transform_1(%arg0: i32) -> (i32, i32) {
    %c0_i32 = arith.constant 0 : i32
    %c0_i32_0 = arith.constant 0 : i32
    %c0_i32_1 = arith.constant 0 : i32
    return %c0_i32, %c0_i32_0 : i32, i32
  }
  func.func @transform_3(%arg0: i32) -> (i32, i32) {
    %c1_i32 = arith.constant 1 : i32
    %c0_i32 = arith.constant 0 : i32
    return %arg0, %c1_i32 : i32, i32
  }
}

</mosaic_0001>

<sc_bundles>
// kernel: kernel.4.cloned.1.call-start
scs
__scs_entry_jumppad:
0x0: {  	(pc) =	sbr.rel $0x88, $3  }
0x1: {  	(tag) =	ssettag $0x0;
	lr =	simm.s32 $0x1  }
0x2: {  	[smem:$0x3F9E] =	sst lr;
	_ =	strace $0xD0000000  }
0x3: {  	_ = 	snop  }
0x4: {  	_ = 	snop  }
0x5: {  	_ = 	snop  }
0x6: {  	_ = 	snop  }
0x7: {  	_ = 	snop  }
__scs_overlays_trampoline_lowered:
0x8: {  	[smem:$0x3FAD] =	sst s0  }
0x9: {  	[smem:$0x3FAE] =	sst s1  }
0xa: {  	[smem:$0x3FAF] =	sst s2  }
0xb: {  	[smem:$0x3FB0] =	sst s3  }
0xc: {  	[smem:$0x3FB1] =	sst s4  }
0xd: {  	[smem:$0x3FB2] =	sst s5  }
0xe: {  	[smem:$0x3FB3] =	sst s6  }
0xf: {  	[smem:$0x3FB4] =	sst s7  }
0x10: {  	[smem:$0x3FB5] =	sst s8  }
0x11: {  	[smem:$0x3FB6] =	sst s9;
	s0 =	simm.s32 @!p0 $0x0  }
0x12: {  	s1 =	sld [smem:$0x3F9C];
	s0 =	simm.s32 @p0 $0x1  }
0x13: {  	[smem:$0x3FB7] =	sst s0;
	s0 =	simm.s32 @!p1 $0x0  }
0x14: {  	s2 =	sld [smem:$0x3F9B];
	s0 =	simm.s32 @p1 $0x1  }
0x15: {  	[smem:$0x3FB8] =	sst s0;
	s0 =	simm.s32 @!p2 $0x0  }
0x16: {  	s3 =	sld [smem:$0x3FDB];
	s0 =	simm.s32 @p2 $0x1  }
0x17: {  	s4 =	simm.s32 $0x1BF5;
	[smem:$0x3FBA] =	sst s0  }
0x18: {  	s0 =	sld [smem:$0x3F9D];
	_ =	swait.ge [sflag:s4], $0x0  }
0x19: {  	s7 =	sld [smem:$0x3F9E]  }
0x1a: {  	s8 =	sadd.s32 $0xFFFFE003, lr  }
0x1b: {  	s9 =	sadd.s32 $0xFFFFFEF7, lr;
	s5 =	simm.s32 $0xFFFFFFFF;
	p2 =	slt.u32 s8, $0xFFFFF086  }
0x1c: {  	p1 =	slt.u32 s9, $0xF7A;
	s5 =	simm.s32 @!p2 $0x0  }
0x1d: {  	s5 =	simm.s32 @p1 $0x1;
	p0 =	seq.s32 s7, s2  }
0x1e: {  	s7 =	smul.u32 @!p0 $0xF7A, s2;
	p2 =	seq.s32 @!p0 s5, $0x0  }
0x1f: {  	s9 =	smul.u32 $0xF7A, s1;
	s8 =	simm.s32 @!p0 $0x1BF5;
	p2 =	por !p2, p0  }
0x20: {  	[sflag:s8] =	ssyncset.s32 @!p0 $0xFFFFF086;
	s6 =	sadd.s32 @!p0 s3, s7;
	s7 =	simm.s32 @!p0 $0x108  }
0x21: {  	s3 =	sadd.s32 s3, s9;
	s6 =	sadd.s32 @!p0 $0x88, s6;
	s7 =	simm.s32 @p2 $0x1082  }
0x22: {  	[simem:s7], [sflag:s8] =	dma.local @!p0 [hbm:s6], $0xF7A  }
0x23: {  	s9 =	sor.u32 $0xD0000000, s2;
	s6 =	simm.s32 $0x108;
	_ =	swait.ge @!p0 [sflag:s8], $0x0  }
0x24: {  	s3 =	sadd.s32 $0x88, s3;
	s6 =	simm.s32 @!p1 $0x1082;
	[sflag:s4] =	ssyncset.s32 $0xFFFFF086  }
0x25: {  	[simem:s6], [sflag:s4] =	dma.local [hbm:s3], $0xF7A  }
0x26: {  	[smem:$0x3F9E] =	sst s1;
	(tag) =	ssettag s2;
	_ =	strace s9  }
0x27: {  	s1 =	sld [smem:$0x3FAE]  }
0x28: {  	s2 =	sld [smem:$0x3FAF]  }
0x29: {  	s4 =	sld [smem:$0x3FB1]  }
0x2a: {  	p0 =	seq.s32 s5, $0x0;
	s5 =	sld [smem:$0x3FB2]  }
0x2b: {  	s6 =	sld [smem:$0x3FB3]  }
0x2c: {  	s7 =	sld [smem:$0x3FB4]  }
0x2d: {  	s3 =	simm.s32 $0x108;
	s8 =	sld [smem:$0x3FB5]  }
0x2e: {  	s3 =	simm.s32 @!p0 $0x1082;
	s9 =	sld [smem:$0x3FB6]  }
0x2f: {  	lr =	sadd.s32 s0, s3;
	s0 =	sld [smem:$0x3FAD]  }
0x30: {  	s3 =	sld [smem:$0x3FB0]  }
0x31: {  	[smem:$0x3FB9] =	sst s10  }
0x32: {  	s10 =	sld [smem:$0x3FB7];
	_ =	sdelay $0x3  }
0x33: {  	p0 =	seq.s32 s10, $0x1;
	s10 =	sld [smem:$0x3FB9];
	_ =	sdelay $0x3  }
0x34: {  	[smem:$0x3FB9] =	sst s10  }
0x35: {  	s10 =	sld [smem:$0x3FB8];
	_ =	sdelay $0x3  }
0x36: {  	p1 =	seq.s32 s10, $0x1;
	s10 =	sld [smem:$0x3FB9];
	_ =	sdelay $0x3  }
0x37: {  	[smem:$0x3FB9] =	sst s10  }
0x38: {  	s10 =	sld [smem:$0x3FBA]  }
0x39: {  	_ = 	snop;
	(pc) =	sbr.ind lr, $3  }
0x3a: {  	_ = 	snop  }
0x3b: {  	_ = 	snop  }
0x3c: {  	p2 =	seq.s32 s10, $0x1;
	s10 =	sld [smem:$0x3FB9]  }
0x3d: {  	_ =	shalt  }
0x3e: {  	_ =	shalt  }
0x3f: {  	_ =	shalt  }
0x40: {  	_ =	shalt  }
0x41: {  	_ =	shalt  }
0x42: {  	_ =	shalt  }
0x43: {  	_ =	shalt  }
0x44: {  	_ =	shalt  }
0x45: {  	_ =	shalt  }
0x46: {  	_ =	shalt  }
0x47: {  	_ =	shalt  }
0x48: {  	_ =	shalt  }
0x49: {  	_ =	shalt  }
0x4a: {  	_ =	shalt  }
0x4b: {  	_ =	shalt  }
0x4c: {  	_ =	shalt  }
0x4d: {  	_ =	shalt  }
0x4e: {  	_ =	shalt  }
0x4f: {  	_ =	shalt  }
0x50: {  	_ =	shalt  }
0x51: {  	_ =	shalt  }
0x52: {  	_ =	shalt  }
0x53: {  	_ =	shalt  }
0x54: {  	_ =	shalt  }
0x55: {  	_ =	shalt  }
0x56: {  	_ =	shalt  }
0x57: {  	_ =	shalt  }
0x58: {  	_ =	shalt  }
0x59: {  	_ =	shalt  }
0x5a: {  	_ =	shalt  }
0x5b: {  	_ =	shalt  }
0x5c: {  	_ =	shalt  }
0x5d: {  	_ =	shalt  }
0x5e: {  	_ =	shalt  }
0x5f: {  	_ =	shalt  }
0x60: {  	_ =	shalt  }
0x61: {  	_ =	shalt  }
0x62: {  	_ =	shalt  }
0x63: {  	_ =	shalt  }
0x64: {  	_ =	shalt  }
0x65: {  	_ =	shalt  }
0x66: {  	_ =	shalt  }
0x67: {  	_ =	shalt  }
0x68: {  	_ =	shalt  }
0x69: {  	_ =	shalt  }
0x6a: {  	_ =	shalt  }
0x6b: {  	_ =	shalt  }
0x6c: {  	_ =	shalt  }
0x6d: {  	_ =	shalt  }
0x6e: {  	_ =	shalt  }
0x6f: {  	_ =	shalt  }
0x70: {  	_ =	shalt  }
0x71: {  	_ =	shalt  }
0x72: {  	_ =	shalt  }
0x73: {  	_ =	shalt  }
0x74: {  	_ =	shalt  }
0x75: {  	_ =	shalt  }
0x76: {  	_ =	shalt  }
0x77: {  	_ =	shalt  }
0x78: {  	_ =	shalt  }
0x79: {  	_ =	shalt  }
0x7a: {  	_ =	shalt  }
0x7b: {  	_ =	shalt  }
0x7c: {  	_ =	shalt  }
0x7d: {  	_ =	shalt  }
0x7e: {  	_ =	shalt  }
0x7f: {  	_ =	shalt  }
0x80: {  	_ =	shalt  }
0x81: {  	_ =	shalt  }
0x82: {  	_ =	shalt  }
0x83: {  	_ =	shalt  }
0x84: {  	_ =	shalt  }
0x85: {  	_ =	shalt  }
0x86: {  	_ =	shalt  }
0x87: {  	_ =	shalt  }
.Lfunc_end0:
.L_simem_size_0:
called_computation_lowered:
.L_overlay_start_0:
0x88: {  	s2 =	sld [smem:$0x3FD9]  }
0x89: {  	s3 =	sld [smem:$0x3FFE];
	_ =	sdelay $0x1  }
0x8a: {  	s1 =	srdreg.scid  }
0x8b: {  	s0 =	sand.u32 $0x1, s1  }
0x8c: {  	s17 =	sshll.u32 s0, $0xA;
	s2 =	sadd.s32 s3, s2  }
0x8d: {  	s2 =	sadd.s32 s2, s17  }
0x8e: {  	[smem:$0x3FC5] =	sst s2  }
0x8f: {  	_ = 	snop  }
0x90: {  	s2 =	sld [smem:$0x3FC8]  }
0x91: {  	s18 =	sld [smem:$0x3FD0];
	(tm) =	ssettm $0x1  }
0x92: {  	s4 =	sld [smem:$0x3FFB];
	_ =	sdelay $0x3  }
0x93: {  	_ =	strace s4  }
0x94: {  	s4 =	sld [smem:$0x3FFC];
	_ =	sdelay $0x3  }
0x95: {  	_ =	strace s4  }
0x96: {  	s4 =	sld [smem:$0x3FFD];
	_ =	sdelay $0x3  }
0x97: {  	_ =	strace s4  }
0x98: {  	_ =	strace $0x8FFFFFFF  }
0x99: {  	s19 =	sld [smem:$0x3FDB];
	_ =	sdelay $0x1  }
0x9a: {  	s5 =	simm.s32 $_scs_section_size  }
0x9b: {  	s6 =	simm.s32 $_size__tile_overlayer_lowered;
	s7 =	simm.s32 $_tile_overlayer_lowered  }
0x9c: {  	s22 =	simm.s32 $0x1BFF;
	s21 =	sshll.u32 s7, $0x1;
	s4 =	sadd.s32 s5, s19  }
0x9d: {  	s8 =	simm.s32 $0x0;
	s20 =	sshll.u32 s6, $0x1;
	s6 =	sadd.s32 s21, s4  }
0x9e: {  	[timem:s8], [sflag:s22] =	dma.local [hbm:s6], s20  }
0x9f: {  	_ =	swait.ge [sflag:s22], s20  }
0xa0: {  	s5 =	ssub.s32 $0x0, s20;
	[sflag:s22] =	ssyncset.done $0x0  }
0xa1: {  	[sflag:s22] =	ssyncadd.s32 s5;
	_ =	sdelay $0x1  }
0xa2: {  	s23 =	simm.s32 $0x1B8B  }
0xa3: {  	_ =	swait.ge [sflag:s23], $0x1  }
0xa4: {  	[sflag:s23] =	ssyncset.done $0x0  }
0xa5: {  	s25 =	simm.s32 $0x1B8E;
	s24 =	sld [smem:$0x3FFE];
	[sflag:s23] =	ssyncadd.s32 $0xFFFFFFFF  }
0xa6: {  	s26 =	simm.s32 $execute0_lowered;
	[smem:$0x3FD2] =	sst s25  }
0xa7: {  	s6 =	sshll.u32 s26, $0x1;
	_ =	strace $0x80000046;
	[dreg:$0x1] =	wrdreg $0xFFFFFFFF  }
0xa8: {  	s28 =	simm.s32 $_size_execute0_lowered;
	s4 =	sadd.s32 s4, s6;
	[dreg:$0x0] =	wrdreg $0x0  }
0xa9: {  	s6 =	sshll.u32 s28, $0x1;
	[dreg:$0x2] =	wrdreg s4  }
0xaa: {  	[dreg:$0x3] =	wrdreg s6  }
0xab: {  	[dreg:$0x4] =	wrdreg $0xC0  }
0xac: {  	_ =	task [dreg:s8], $0x5FFFF  }
0xad: {  	[dreg:$0x1] =	wrdreg $0xFFFFFFFF  }
0xae: {  	[dreg:$0x0] =	wrdreg $0x60  }
0xaf: {  	[dreg:$0x2] =	wrdreg s2  }
0xb0: {  	[dreg:$0x3] =	wrdreg s24  }
0xb1: {  	[dreg:$0x4] =	wrdreg s18  }
0xb2: {  	[dreg:$0x5] =	wrdreg $0x102000  }
0xb3: {  	[dreg:$0x6] =	wrdreg $0x9  }
0xb4: {  	_ =	task.clear_ibuf [dreg:s8], $0x7FFFF;
	_ =	strace $0x90000046  }
0xb5: {  	s29 =	simm.s32 $0x9;
	_ =	strace $0x80000048  }
0xb6: {  	_ =	swait.ge [sflag:s29], $0x1  }
0xb7: {  	[sflag:s29] =	ssyncadd.s32 $0xFFFFFFFF  }
0xb8: {  	_ =	strace $0x90000048  }
0xb9: {  	_ =	sfence  }
0xba: {  	s30 =	sld [smem:$0x0];
	_ =	sdelay $0x2  }
0xbb: {  	s31 =	sshll.u32 s1, $0xD;
	s1 =	sshrl.u32 s1, $0x2  }
0xbc: {  	s3 =	sand.u32 $0x4000, s31;
	s1 =	sadd.s32 s1, s30  }
0xbd: {  	s0 =	sor.u32 s3, s0;
	s1 =	sshll.u32 s1, $0x11  }
0xbe: {  	s0 =	sor.u32 s1, s0  }
0xbf: {  	s0 =	sadd.s32 $0x8F2B, s0  }
0xc0: {  	[sflag:s0] =	ssyncadd.remote.s32 $0x1  }
0xc1: {  	_ =	sfence.sel $0xFFFF  }
0xc2: {  	[dreg:$0x0] =	wrdreg $0xFFFFFFFF;
	(pc) =	sbr.abs _section_cstart, $3  }
0xc3: {  	[dreg:$0x1] =	wrdreg $0xFFFFFFFF  }
0xc4: {  	_ =	task.clear_ibuf [dreg:s8], $0x2FFFF;
	_ =	strace $0x9FFFFFFF  }
0xc5: {  	(tm) =	ssettm $0x7FFFFFFF  }
tec
execute0_lowered:
.L_overlay_start_1:
0x0: {  	(tag) =	ssettag $0x1  }
0x1: {  	s23 =	stileid.u32  }
0x2: {  	p0 =	sgt.s32 s23, $0x3  }
0x3: {  	p1 =	sgt.s32 @p0 s23, $0x5  }
0x4: {  	p2 =	por !p1, !p0  }
0x5: {  	s24 =	rddreg [dreg:$0x0];
	p2 =	seq.s32 @!p2 s23, $0x6  }
0x6: {  	s19 =	rddreg [dreg:$0x1];
	p3 =	por p1, !p0;
	p4 =	por @p0 !p2, !p1  }
0x7: {  	p5 =	sgt.s32 @!p0 s23, $0x1;
	p3 =	seq.s32 @!p3 s23, $0x4;
	s0 =	simm.s32 @!p4 $0x0  }
0x8: {  	p2 =	por @p0 p2, !p1;
	p6 =	por @p0 !p3, p1;
	s0 =	simm.s32 @p4 $0x1  }
0x9: {  	p1 =	por @p0 p3, p1;
	[smem:$0x7EB] =	sst s0;
	s0 =	simm.s32 @!p2 $0x0  }
0xa: {  	s0 =	simm.s32 @p2 $0x1;
	p2 =	por !p5, p0;
	s16 =	sld [smem:$0x7EB]  }
0xb: {  	[smem:$0x7EC] =	sst s0;
	s0 =	simm.s32 @!p1 $0x0;
	p2 =	seq.s32 @!p2 s23, $0x2  }
0xc: {  	p3 =	por p5, p0;
	s0 =	simm.s32 @p1 $0x1;
	p1 =	por @!p0 !p2, !p5  }
0xd: {  	p4 =	por @!p0 p2, !p5;
	p2 =	seq.s32 @!p3 s23, $0x0;
	s17 =	sld [smem:$0x7EC]  }
0xe: {  	p3 =	por @!p0 !p2, p5;
	p5 =	por @!p0 p2, p5;
	p2 =	seq.s32 s16, $0x1  }
0xf: {  	s26 =	rddreg [dreg:$0x2];
	p2 =	por p2, !p0  }
0x10: {  	[smem:$0x7ED] =	sst s0;
	s0 =	simm.s32 @!p2 $0x0  }
0x11: {  	s3 =	rddreg [dreg:$0x3];
	s0 =	simm.s32 @p2 $0x1;
	p2 =	seq.s32 s17, $0x1  }
0x12: {  	s1 =	srdreg.scid;
	s18 =	sld [smem:$0x7ED];
	p2 =	por p2, !p0  }
0x13: {  	s4 =	simm.s32 $0x0;
	[smem:$0x7F3] =	sst s0;
	s0 =	simm.s32 @!p2 $0x0  }
0x14: {  	s1 =	sand.u32 $0x1, s1;
	s0 =	simm.s32 @p2 $0x1;
	p2 =	por p6, !p0  }
0x15: {  	p6 =	seq.s32 s18, $0x1;
	[smem:$0x7F4] =	sst s0;
	s0 =	simm.s32 @!p2 $0x0  }
0x16: {  	[smem:$0x7FF] =	sst s4;
	p6 =	por p6, !p0;
	s0 =	simm.s32 @p2 $0x1  }
0x17: {  	s5 =	sshll.u32 s23, $0xA;
	[smem:$0x7F5] =	sst s0;
	s0 =	simm.s32 @!p6 $0x0  }
0x18: {  	s7 =	sadd.s32 $0x3C00, s24;
	p1 =	por p1, p0;
	s0 =	simm.s32 @p6 $0x1  }
0x19: {  	s8 =	sadd.s32 $0x3800, s24;
	[smem:$0x7F6] =	sst s0;
	s0 =	simm.s32 @!p1 $0x0  }
0x1a: {  	p4 =	por p4, p0;
	p2 =	sgt.s32 s23, $0xB;
	s0 =	simm.s32 @p1 $0x1  }
0x1b: {  	p6 =	por p3, p0;
	[smem:$0x7F7] =	sst s0;
	s0 =	simm.s32 @!p4 $0x0  }
0x1c: {  	p0 =	por p5, p0;
	p1 =	sgt.s32 @p2 s23, $0xD;
	s0 =	simm.s32 @p4 $0x1  }
0x1d: {  	p3 =	por !p1, !p2;
	[smem:$0x7F8] =	sst s0;
	s0 =	simm.s32 @!p0 $0x0  }
0x1e: {  	p3 =	seq.s32 @!p3 s23, $0xE;
	s0 =	simm.s32 @p0 $0x1;
	p0 =	por p1, !p2  }
0x1f: {  	s11 =	sadd.s32 $0x1A000, s3;
	p5 =	seq.s32 @!p0 s23, $0xC;
	p0 =	por @p2 !p3, !p1  }
0x20: {  	s29 =	sadd.s32 $0x3400, s24;
	[smem:$0x7F9] =	sst s0;
	s0 =	simm.s32 @!p0 $0x0  }
0x21: {  	s12 =	sadd.s32 $0x18000, s3;
	p3 =	por @p2 p3, !p1;
	s0 =	simm.s32 @p0 $0x1  }
0x22: {  	s13 =	sadd.s32 $0x16000, s3;
	[smem:$0x7EE] =	sst s0;
	s0 =	simm.s32 @!p3 $0x0  }
0x23: {  	s14 =	sadd.s32 $0x14000, s3;
	s0 =	simm.s32 @p3 $0x1;
	p3 =	por @p2 !p5, p1  }
0x24: {  	p0 =	sgt.s32 @!p2 s23, $0x9;
	[smem:$0x7EF] =	sst s0;
	s0 =	simm.s32 @!p3 $0x0  }
0x25: {  	s15 =	sadd.s32 $0x12000, s3;
	s0 =	simm.s32 @p3 $0x1;
	p3 =	por !p0, p2  }
0x26: {  	s31 =	sadd.s32 $0x2000, s24;
	s2 =	sld [smem:$0x7EE];
	p3 =	seq.s32 @!p3 s23, $0xA  }
0x27: {  	p4 =	por @p2 p5, p1;
	s20 =	sld [smem:$0x7EF];
	p1 =	por @!p2 !p3, !p0  }
0x28: {  	s6 =	sshll.u32 s1, $0x9;
	[smem:$0x7F0] =	sst s0;
	s0 =	simm.s32 @!p1 $0x0  }
0x29: {  	s21 =	sld [smem:$0x7F0];
	s0 =	simm.s32 @p1 $0x1;
	p1 =	por @!p2 p3, !p0  }
0x2a: {  	p5 =	por p0, p2;
	[smem:$0x7F1] =	sst s0;
	s0 =	simm.s32 @!p1 $0x0  }
0x2b: {  	p3 =	seq.s32 @!p5 s23, $0x8;
	p5 =	seq.s32 s2, $0x1;
	s0 =	simm.s32 @p1 $0x1  }
0x2c: {  	p1 =	por @!p2 !p3, p0;
	p3 =	por @!p2 p3, p0;
	p0 =	por p5, !p2  }
0x2d: {  	s1 =	ssub.s32 $0x2, s1;
	p5 =	seq.s32 s20, $0x1;
	s2 =	simm.s32 @!p0 $0x0  }
0x2e: {  	s22 =	sld [smem:$0x7F1];
	s2 =	simm.s32 @p0 $0x1;
	p0 =	por p5, !p2  }
0x2f: {  	p5 =	seq.s32 s21, $0x1;
	[smem:$0x7FA] =	sst s2;
	s2 =	simm.s32 @!p0 $0x0  }
0x30: {  	[smem:$0x7F2] =	sst s0;
	s2 =	simm.s32 @p0 $0x1;
	p0 =	por p5, !p2  }
0x31: {  	s5 =	sor.u32 s6, s5;
	[smem:$0x7FB] =	sst s2;
	s2 =	simm.s32 @!p0 $0x0  }
0x32: {  	s28 =	sshrl.u32 s1, $0x1;
	s25 =	sld [smem:$0x7F2];
	s2 =	simm.s32 @p0 $0x1  }
0x33: {  	s6 =	sshrl.u32 s5, $0x3;
	s1 =	ssub.s32 s1, s28;
	[smem:$0x7FC] =	sst s2  }
0x34: {  	s5 =	sshll.u32 s5, $0x5;
	_ =	strace $0x80000047;
	[dreg:$0x5] =	wrdreg s7  }
0x35: {  	s28 =	sadd.s32 $0x2C00, s24;
	s10 =	smax.u32 s1, $0x1;
	[dreg:$0x6] =	wrdreg s8  }
0x36: {  	s16 =	sadd.s32 $0x10000, s3;
	s17 =	sadd.s32 $0xE000, s3;
	[dreg:$0x7] =	wrdreg s29  }
0x37: {  	s18 =	sadd.s32 $0xC000, s3;
	p4 =	por p4, !p2;
	[dreg:$0x18] =	wrdreg s28  }
0x38: {  	p1 =	por p1, p2;
	s0 =	sadd.s32 s6, s19;
	s30 =	sld [smem:$0x7F3]  }
0x39: {  	s9 =	sadd.s32 $0xA00, s0;
	p5 =	seq.s32 s22, $0x1;
	s1 =	sld [smem:$0x7F4]  }
0x3a: {  	p5 =	por p5, p2;
	s8 =	sadd.s32 s26, s5;
	s5 =	sld [smem:$0x7F5]  }
0x3b: {  	p0 =	seq.s32 s25, $0x1;
	s26 =	sadd.s32 $0x3000, s24;
	s25 =	sld [smem:$0x7FC]  }
0x3c: {  	p0 =	por p0, p2;
	s29 =	sadd.s32 $0x2800, s24;
	[dreg:$0x17] =	wrdreg s26  }
0x3d: {  	p2 =	por p3, p2;
	[dreg:$0x19] =	wrdreg s29;
	p3 =	seq.s32 s30, $0x1  }
0x3e: {  	s30 =	sadd.s32 $0x2400, s24;
	s0 =	sshrl.u32 @!p3 s18, $0x3;
	s18 =	sld [smem:$0x7F7]  }
0x3f: {  	s20 =	sadd.s32 $0x8000, s3;
	s6 =	sadd.s32 $0x1E000, s3;
	[dreg:$0x1a] =	wrdreg s30  }
0x40: {  	s19 =	sadd.s32 $0xA000, s3;
	p3 =	seq.s32 s1, $0x1;
	[dreg:$0x8] =	wrdreg s0  }
0x41: {  	s21 =	sadd.s32 $0x6000, s3;
	s0 =	sshrl.u32 @!p3 s17, $0x3;
	s17 =	sld [smem:$0x7F6]  }
0x42: {  	s22 =	sadd.s32 $0x4000, s3;
	p3 =	seq.s32 s5, $0x1;
	[dreg:$0x9] =	wrdreg s0  }
0x43: {  	s2 =	sadd.s32 $0x2000, s3;
	s0 =	sshrl.u32 @!p3 s20, $0x3;
	s20 =	sld [smem:$0x7F9]  }
0x44: {  	s7 =	sadd.s32 $0x1C000, s3;
	[dreg:$0xa] =	wrdreg s0;
	p3 =	seq.s32 s17, $0x1  }
0x45: {  	s26 =	simm.s32 $0x2;
	s0 =	sshrl.u32 @!p3 s19, $0x3;
	s19 =	sld [smem:$0x7F8]  }
0x46: {  	s1 =	sadd.s32 $0x1400, s24;
	p3 =	seq.s32 s18, $0x1;
	[dreg:$0xb] =	wrdreg s0  }
0x47: {  	s5 =	sadd.s32 $0x1000, s24;
	s0 =	sshrl.u32 @!p3 s22, $0x3;
	s22 =	sld [smem:$0x7FB]  }
0x48: {  	s17 =	simm.s32 $0x200;
	[dreg:$0xc] =	wrdreg s0;
	p3 =	seq.s32 s19, $0x1  }
0x49: {  	s18 =	simm.s32 $0x4200;
	s0 =	sshrl.u32 @!p3 s21, $0x3;
	s21 =	sld [smem:$0x7FA]  }
0x4a: {  	s19 =	simm.s32 $0x100;
	p3 =	seq.s32 s20, $0x1;
	s20 =	simm.s32 $0x8200  }
0x4b: {  	[dreg:$0xd] =	wrdreg s0;
	s0 =	sshrl.u32 @!p3 s2, $0x3;
	s2 =	sadd.s32 $0x1C00, s24  }
0x4c: {  	[dreg:$0xe] =	wrdreg s0;
	p3 =	seq.s32 s21, $0x1;
	s21 =	simm.s32 $0x180  }
0x4d: {  	s0 =	sshrl.u32 @!p3 s7, $0x3;
	p3 =	seq.s32 s22, $0x1;
	s7 =	sadd.s32 $0x800, s24  }
0x4e: {  	s22 =	simm.s32 $0xC200;
	[dreg:$0xf] =	wrdreg s0;
	s0 =	sshrl.u32 @!p3 s6, $0x3  }
0x4f: {  	p3 =	seq.s32 s25, $0x1;
	s6 =	sadd.s32 $0xC00, s24;
	s25 =	simm.s32 $0x800  }
0x50: {  	[dreg:$0x10] =	wrdreg s0;
	s0 =	sshrl.u32 @!p3 s12, $0x3;
	p3 =	sgt.s32 s23, $0x7  }
0x51: {  	s12 =	sadd.s32 $0x1000, s8;
	[dreg:$0x11] =	wrdreg s0;
	s0 =	sshrl.u32 @!p4 s11, $0x3  }
0x52: {  	s23 =	simm.s32 $0x1;
	[dreg:$0x12] =	wrdreg s0;
	s0 =	sshrl.u32 @!p5 s14, $0x3  }
0x53: {  	s11 =	sadd.s32 $0x400, s24;
	[dreg:$0x13] =	wrdreg s0;
	s0 =	sshrl.u32 @!p0 s13, $0x3  }
.Ltmp0:
0x54: {  	[dreg:$0x14] =	wrdreg s0;
	s0 =	sshrl.u32 @!p1 s16, $0x3;
	(pc) =	sbr.rel .LBB2_1-.Ltmp0, $4  }
0x55: {  	s14 =	sadd.s32 $0x3000, s8;
	[dreg:$0x15] =	wrdreg s0;
	s0 =	sshrl.u32 @!p2 s15, $0x3  }
0x56: {  	s13 =	sadd.s32 $0x2000, s8;
	[dreg:$0x16] =	wrdreg s0;
	s0 =	simm.s32 @!p3 $0x0  }
0x57: {  	s16 =	simm.s32 $0x80;
	s15 =	simm.s32 $0x3;
	s0 =	simm.s32 @p3 $0x1  }
0x58: {  	[smem:$0x7FD] =	sst s0;
	s0 =	sadd.s32 $0x1800, s24;
	s24 =	simm.s32 $0x400  }
.LBB2_3:
0x59: {  	s28 =	sld [smem:$0x7FA];
	_ =	sdelay $0x2  }
0x5a: {  	s29 =	rddreg [dreg:$0x6];
	p3 =	seq.s32 s28, $0x1  }
0x5b: {  	s30 =	rddreg [dreg:$0xf];
	s28 =	simm.s32 @!p3 $0x1F83  }
0x5c: {  	[spmem:s30], [sflag:s28] =	dma.local @!p3 [hbm:s29], $0x400  }
0x5d: {  	s28 =	simm.s32 @!p3 $0x3  }
0x5e: {  	_ =	swait.ge @!p3 [sflag:s28], $0x400  }
0x5f: {  	s29 =	sld [smem:$0x7FB];
	_ =	sdelay $0x1  }
0x60: {  	[sflag:s28] =	ssyncset.done @!p3 $0x0  }
0x61: {  	s30 =	rddreg [dreg:$0x10];
	[sflag:s28] =	ssyncadd.s32 @!p3 $0xFFFFFC00;
	p3 =	seq.s32 s29, $0x1  }
0x62: {  	s29 =	rddreg [dreg:$0x5];
	s28 =	simm.s32 @!p3 $0x1FC3  }
0x63: {  	[spmem:s30], [sflag:s28] =	dma.local @!p3 [hbm:s29], $0x280  }
0x64: {  	s28 =	simm.s32 @!p3 $0x3  }
0x65: {  	_ =	swait.ge @!p3 [sflag:s28], $0x280  }
0x66: {  	s30 =	sld [smem:$0x7FC];
	_ =	sdelay $0x1  }
0x67: {  	[sflag:s28] =	ssyncset.done @!p3 $0x0  }
0x68: {  	s29 =	rddreg [dreg:$0x11];
	[sflag:s28] =	ssyncadd.s32 @!p3 $0xFFFFFD80;
	p3 =	seq.s32 s30, $0x1  }
0x69: {  	s30 =	rddreg [dreg:$0x17];
	s28 =	simm.s32 @!p3 $0x1F03  }
0x6a: {  	[spmem:s29], [sflag:s28] =	dma.local @!p3 [hbm:s30], $0x400  }
0x6b: {  	s28 =	simm.s32 @!p3 $0x3  }
0x6c: {  	_ =	swait.ge @!p3 [sflag:s28], $0x400  }
0x6d: {  	[sflag:s28] =	ssyncset.done @!p3 $0x0;
	s29 =	rddreg [dreg:$0x7]  }
0x6e: {  	s30 =	rddreg [dreg:$0x12];
	[sflag:s28] =	ssyncadd.s32 @!p3 $0xFFFFFC00;
	s28 =	simm.s32 @!p4 $0x1F43  }
0x6f: {  	[spmem:s30], [sflag:s28] =	dma.local @!p4 [hbm:s29], $0x400  }
0x70: {  	s28 =	simm.s32 @!p4 $0x3  }
0x71: {  	_ =	swait.ge @!p4 [sflag:s28], $0x400  }
0x72: {  	[sflag:s28] =	ssyncset.done @!p4 $0x0;
	s29 =	rddreg [dreg:$0x13]  }
0x73: {  	s30 =	rddreg [dreg:$0x19];
	[sflag:s28] =	ssyncadd.s32 @!p4 $0xFFFFFC00;
	s28 =	simm.s32 @!p5 $0x1E83  }
0x74: {  	[spmem:s29], [sflag:s28] =	dma.local @!p5 [hbm:s30], $0x400  }
0x75: {  	s28 =	simm.s32 @!p5 $0x3  }
0x76: {  	_ =	swait.ge @!p5 [sflag:s28], $0x400  }
0x77: {  	[sflag:s28] =	ssyncset.done @!p5 $0x0;
	s29 =	rddreg [dreg:$0x14]  }
0x78: {  	s30 =	rddreg [dreg:$0x18];
	[sflag:s28] =	ssyncadd.s32 @!p5 $0xFFFFFC00;
	s28 =	simm.s32 @!p0 $0x1EC3  }
0x79: {  	[spmem:s29], [sflag:s28] =	dma.local @!p0 [hbm:s30], $0x400  }
0x7a: {  	s28 =	simm.s32 @!p0 $0x3  }
0x7b: {  	_ =	swait.ge @!p0 [sflag:s28], $0x400  }
0x7c: {  	[sflag:s28] =	ssyncset.done @!p0 $0x0  }
0x7d: {  	s29 =	rddreg [dreg:$0x15];
	[sflag:s28] =	ssyncadd.s32 @!p0 $0xFFFFFC00;
	s28 =	simm.s32 @!p1 $0x1E03  }
0x7e: {  	[spmem:s29], [sflag:s28] =	dma.local @!p1 [hbm:s31], $0x400  }
0x7f: {  	s28 =	simm.s32 @!p1 $0x3  }
0x80: {  	_ =	swait.ge @!p1 [sflag:s28], $0x400  }
0x81: {  	[sflag:s28] =	ssyncset.done @!p1 $0x0;
	s29 =	rddreg [dreg:$0x16]  }
0x82: {  	s30 =	rddreg [dreg:$0x1a];
	[sflag:s28] =	ssyncadd.s32 @!p1 $0xFFFFFC00;
	s28 =	simm.s32 @!p2 $0x1E43  }
0x83: {  	[spmem:s29], [sflag:s28] =	dma.local @!p2 [hbm:s30], $0x400  }
0x84: {  	s28 =	simm.s32 @!p2 $0x3  }
0x85: {  	_ =	swait.ge @!p2 [sflag:s28], $0x400  }
0x86: {  	[sflag:s28] =	ssyncset.done @!p2 $0x0  }
0x87: {  	[sflag:s28] =	ssyncadd.s32 @!p2 $0xFFFFFC00  }
.LBB2_4:
0x88: {  	[tilespmem:s4], [sflag:$0x3] =	stream.linear.gather [hbm4b:s9+s4], $0x200, $0x38;
	[tilespmem:$0x12140] =	vst v63  }
0x89: {  	_ =	swait.ge [sflag:s15], $0x200  }
0x8a: {  	[sflag:s15] =	ssyncset.done $0x0  }
0x8b: {  	[sflag:s15] =	ssyncadd.s32 $0xFFFFFE00  }
0x8c: {  	[bflag:$0x0] =	sbarrier.arrive $0xFFFF  }
0x8d: {  	[tilespmem:s17], [sflag:$0x1] =	stream.indirect.gather [spmem:s3], $0x80, s4, s16, $0xb8;
	[tilespmem:$0x12140] =	vst v63  }
0x8e: {  	_ = 	snop  }
0x8f: {  	[tilespmem:s18], [sflag:$0x1] =	stream.indirect.gather [spmem:s3], $0x80, s16, s16, $0xb8;
	[tilespmem:$0x12140] =	vst v63  }
0x90: {  	_ = 	snop  }
0x91: {  	[tilespmem:s20], [sflag:$0x1] =	stream.indirect.gather [spmem:s3], $0x80, s19, s16, $0xb8;
	[tilespmem:$0x12140] =	vst v63  }
0x92: {  	_ = 	snop  }
0x93: {  	[tilespmem:s22], [sflag:$0x1] =	stream.indirect.gather [spmem:s3], $0x80, s21, s16, $0xb8;
	[tilespmem:$0x12140] =	vst v63  }
0x94: {  	_ =	swait.ge [sflag:s23], $0x4000  }
0x95: {  	[sflag:s23] =	ssyncset.done $0x0  }
0x96: {  	[sflag:s23] =	ssyncadd.s32 $0xFFFFC000  }
0x97: {  	[hbm4b:s8+s24] =	stream.strided.scatter [tilespmem:s17], [sflag:$0x2], $0x4000, s25, s24, $0x38;
	[tilespmem:$0x12140] =	vst v63  }
0x98: {  	_ =	swait.ge [sflag:s23], $0x4000  }
0x99: {  	[sflag:s23] =	ssyncset.done $0x0  }
0x9a: {  	[sflag:s23] =	ssyncadd.s32 $0xFFFFC000  }
0x9b: {  	[hbm4b:s12+s24] =	stream.strided.scatter [tilespmem:s18], [sflag:$0x2], $0x4000, s25, s24, $0x38;
	[tilespmem:$0x12140] =	vst v63  }
0x9c: {  	_ =	swait.ge [sflag:s23], $0x4000  }
0x9d: {  	[sflag:s23] =	ssyncset.done $0x0  }
0x9e: {  	[sflag:s23] =	ssyncadd.s32 $0xFFFFC000  }
0x9f: {  	[hbm4b:s13+s24] =	stream.strided.scatter [tilespmem:s20], [sflag:$0x2], $0x4000, s25, s24, $0x38;
	[tilespmem:$0x12140] =	vst v63  }
0xa0: {  	_ =	swait.ge [sflag:s23], $0x4000  }
0xa1: {  	[sflag:s23] =	ssyncset.done $0x0  }
0xa2: {  	[sflag:s23] =	ssyncadd.s32 $0xFFFFC000  }
0xa3: {  	[hbm4b:s14+s24] =	stream.strided.scatter [tilespmem:s22], [sflag:$0x2], $0x4000, s25, s24, $0x38;
	[tilespmem:$0x12140] =	vst v63  }
0xa4: {  	_ =	swait.ge [sflag:s26], $0x4000  }
0xa5: {  	[sflag:s26] =	ssyncset.done $0x0  }
0xa6: {  	[sflag:s26] =	ssyncadd.s32 $0xFFFFC000  }
0xa7: {  	_ =	swait.ge [sflag:s26], $0x4000  }
0xa8: {  	[sflag:s26] =	ssyncset.done $0x0  }
0xa9: {  	s10 =	sadd.s32 $0xFFFFFFFF, s10;
	[sflag:s26] =	ssyncadd.s32 $0xFFFFC000  }
0xaa: {  	p3 =	sne.s32 s10, $0x0;
	_ =	swait.ge [sflag:s26], $0x4000  }
.Ltmp1:
0xab: {  	[sflag:s26] =	ssyncset.done $0x0;
	(pc) =	sbr.rel @!p3 .LBB2_5-.Ltmp1, $4  }
0xac: {  	[sflag:s26] =	ssyncadd.s32 $0xFFFFC000  }
0xad: {  	_ =	swait.ge [sflag:s26], $0x4000  }
0xae: {  	[sflag:s26] =	ssyncset.done $0x0  }
0xaf: {  	[sflag:s26] =	ssyncadd.s32 $0xFFFFC000  }
.LBB2_1:
0xb0: {  	s28 =	sld [smem:$0x7FD];
	_ =	sdelay $0x2  }
0xb1: {  	p3 =	seq.s32 s28, $0x1  }
.Ltmp2:
0xb2: {  	_ = 	snop;
	(pc) =	sbr.rel @p3 .LBB2_3-.Ltmp2, $1  }
0xb3: {  	_ =	sdelay $0x3  }
0xb4: {  	s28 =	sld [smem:$0x7F3];
	_ =	sdelay $0x2  }
0xb5: {  	p3 =	seq.s32 s28, $0x1  }
0xb6: {  	s29 =	rddreg [dreg:$0x8];
	s28 =	simm.s32 @!p3 $0x1D83  }
0xb7: {  	[spmem:s29], [sflag:s28] =	dma.local @!p3 [hbm:s0], $0x400  }
0xb8: {  	s28 =	simm.s32 @!p3 $0x3  }
0xb9: {  	_ =	swait.ge @!p3 [sflag:s28], $0x400  }
0xba: {  	s29 =	sld [smem:$0x7F4];
	_ =	sdelay $0x1  }
0xbb: {  	[sflag:s28] =	ssyncset.done @!p3 $0x0  }
0xbc: {  	[sflag:s28] =	ssyncadd.s32 @!p3 $0xFFFFFC00;
	p3 =	seq.s32 s29, $0x1  }
0xbd: {  	s29 =	rddreg [dreg:$0x9];
	s28 =	simm.s32 @!p3 $0x1DC3  }
0xbe: {  	[spmem:s29], [sflag:s28] =	dma.local @!p3 [hbm:s2], $0x400  }
0xbf: {  	s28 =	simm.s32 @!p3 $0x3  }
0xc0: {  	_ =	swait.ge @!p3 [sflag:s28], $0x400  }
0xc1: {  	s30 =	sld [smem:$0x7F5];
	_ =	sdelay $0x1  }
0xc2: {  	[sflag:s28] =	ssyncset.done @!p3 $0x0  }
0xc3: {  	[sflag:s28] =	ssyncadd.s32 @!p3 $0xFFFFFC00;
	p3 =	seq.s32 s30, $0x1  }
0xc4: {  	s29 =	rddreg [dreg:$0xa];
	s28 =	simm.s32 @!p3 $0x1D03  }
0xc5: {  	[spmem:s29], [sflag:s28] =	dma.local @!p3 [hbm:s5], $0x400  }
0xc6: {  	s28 =	simm.s32 @!p3 $0x3  }
0xc7: {  	_ =	swait.ge @!p3 [sflag:s28], $0x400  }
0xc8: {  	s29 =	sld [smem:$0x7F6];
	_ =	sdelay $0x1  }
0xc9: {  	[sflag:s28] =	ssyncset.done @!p3 $0x0  }
0xca: {  	[sflag:s28] =	ssyncadd.s32 @!p3 $0xFFFFFC00;
	p3 =	seq.s32 s29, $0x1  }
0xcb: {  	s29 =	rddreg [dreg:$0xb];
	s28 =	simm.s32 @!p3 $0x1D43  }
0xcc: {  	[spmem:s29], [sflag:s28] =	dma.local @!p3 [hbm:s1], $0x400  }
0xcd: {  	s28 =	simm.s32 @!p3 $0x3  }
0xce: {  	_ =	swait.ge @!p3 [sflag:s28], $0x400  }
0xcf: {  	s30 =	sld [smem:$0x7F7];
	_ =	sdelay $0x1  }
0xd0: {  	[sflag:s28] =	ssyncset.done @!p3 $0x0  }
0xd1: {  	[sflag:s28] =	ssyncadd.s32 @!p3 $0xFFFFFC00;
	p3 =	seq.s32 s30, $0x1  }
0xd2: {  	s29 =	rddreg [dreg:$0xc];
	s28 =	simm.s32 @!p3 $0x1C83  }
0xd3: {  	[spmem:s29], [sflag:s28] =	dma.local @!p3 [hbm:s7], $0x400  }
0xd4: {  	s28 =	simm.s32 @!p3 $0x3  }
0xd5: {  	_ =	swait.ge @!p3 [sflag:s28], $0x400  }
0xd6: {  	s29 =	sld [smem:$0x7F8];
	_ =	sdelay $0x1  }
0xd7: {  	[sflag:s28] =	ssyncset.done @!p3 $0x0  }
0xd8: {  	[sflag:s28] =	ssyncadd.s32 @!p3 $0xFFFFFC00;
	p3 =	seq.s32 s29, $0x1  }
0xd9: {  	s29 =	rddreg [dreg:$0xd];
	s28 =	simm.s32 @!p3 $0x1CC3  }
0xda: {  	[spmem:s29], [sflag:s28] =	dma.local @!p3 [hbm:s6], $0x400  }
0xdb: {  	s28 =	simm.s32 @!p3 $0x3  }
0xdc: {  	_ =	swait.ge @!p3 [sflag:s28], $0x400  }
0xdd: {  	[sflag:s28] =	ssyncset.done @!p3 $0x0  }
0xde: {  	[sflag:s28] =	ssyncadd.s32 @!p3 $0xFFFFFC00  }
0xdf: {  	s29 =	simm.s32 @!p6 $0x1C03;
	s28 =	sshrl.u32 @!p6 s3, $0x3;
	s30 =	rddreg [dreg:$0x0]  }
0xe0: {  	[spmem:s28], [sflag:s29] =	dma.local @!p6 [hbm:s30], $0x400  }
0xe1: {  	s28 =	simm.s32 @!p6 $0x3  }
0xe2: {  	_ =	swait.ge @!p6 [sflag:s28], $0x400  }
0xe3: {  	s30 =	sld [smem:$0x7F9];
	_ =	sdelay $0x2  }
0xe4: {  	[sflag:s28] =	ssyncset.done @!p6 $0x0;
	p3 =	seq.s32 s30, $0x1  }
0xe5: {  	s29 =	rddreg [dreg:$0xe];
	[sflag:s28] =	ssyncadd.s32 @!p6 $0xFFFFFC00;
	s28 =	simm.s32 @!p3 $0x1C43  }
0xe6: {  	[spmem:s29], [sflag:s28] =	dma.local @!p3 [hbm:s11], $0x400  }
.Ltmp3:
0xe7: {  	_ = 	snop;
	(pc) =	sbr.rel .LBB2_4-.Ltmp3, $4  }
0xe8: {  	s28 =	simm.s32 @!p3 $0x3  }
0xe9: {  	_ =	swait.ge @!p3 [sflag:s28], $0x400  }
0xea: {  	[sflag:s28] =	ssyncset.done @!p3 $0x0  }
0xeb: {  	[sflag:s28] =	ssyncadd.s32 @!p3 $0xFFFFFC00  }
.LBB2_5:
0xec: {  	_ =	sfence.sel $0x180000  }
0xed: {  	[bflag:$0x0] =	sbarrier.arrive $0xFFFF  }
0xee: {  	_ =	strace $0x90000047  }
0xef: {  	s0 =	stileid.u32;
	[bflag:$0x2] =	sbarrier.arrive $0xFFFF  }
0xf0: {  	p0 =	sne.s32 s0, $0x0;
	s0 =	rddreg [dreg:$0x4]  }
0xf1: {  	s0 =	sadd.s32 @!p0 $0x100000, s0  }
0xf2: {  	[sflag:s0] =	ssyncadd.tile.s32 @!p0 $0x1;
	_ =	shalt  }
.Lfunc_end2:
_tile_overlayer_lowered:
.L_overlay_start_2:
0xf3: {  	(tag) =	ssettag $0x2  }
0xf4: {  	s0 =	rddreg [dreg:$0x0];
	s2 =	stileid.u32  }
0xf5: {  	s1 =	rddreg [dreg:$0x1];
	p0 =	sne.s32 s2, $0x0  }
0xf6: {  	s3 =	rddreg [dreg:$0x2];
	[bflag:$0x3] =	sbarrier.arrive $0xFFFF;
	s2 =	simm.s32 @!p0 $0x1C03  }
0xf7: {  	[timem:s3], [sflag:s2] =	dma.local @!p0 [hbm:s0], s1  }
0xf8: {  	s0 =	simm.s32 @!p0 $0x3  }
0xf9: {  	_ =	swait.ge @!p0 [sflag:s0], s1  }
0xfa: {  	s1 =	ssub.s32 @!p0 $0x0, s1;
	[sflag:s0] =	ssyncset.done @!p0 $0x0  }
0xfb: {  	[sflag:s0] =	ssyncadd.s32 @!p0 s1  }
0xfc: {  	[bflag:$0x3] =	sbarrier.arrive $0xFFFF  }
0xfd: {  	_ =	shalt  }

</sc_bundles>
